<compile_context>
chip_gen: v7x
topology: tpu7x:2x2x1
jax: 0.10.2.dev20260603
libtpu: 0.0.44.dev20260713+nightly
codegen_flags: <defaults>
</compile_context>

<pallas_src>
import functools
import math

import jax
import jax.numpy as jnp
from jax import lax
from jax.experimental import pallas as pl
from jax.experimental.pallas import tpu as pltpu
from jax.experimental.pallas import tpu_sc as plsc

_NUM_CORES = 2
_NUM_SUBCORES = 16
_NW = _NUM_CORES * _NUM_SUBCORES
_CHUNK = 128
_NG = 4
_CONV_BLK = 4096


def _conv_table(table_t):
    d_model, vocab = table_t.shape
    grid = (vocab + _CONV_BLK - 1) // _CONV_BLK

    def body(x_ref, o_ref):
        o_ref[:, :d_model] = jnp.transpose(x_ref[...])

    return pl.pallas_call(
        body,
        grid=(grid,),
        in_specs=[pl.BlockSpec((d_model, _CONV_BLK), lambda i: (0, i))],
        out_specs=pl.BlockSpec((_CONV_BLK, 128), lambda i: (i, 0)),
        out_shape=jax.ShapeDtypeStruct((vocab, 128), jnp.float32),
    )(table_t)


def _transpose_out(packed, b, s, d_model, scale):
    half = b // 2

    def body(x_ref, o_ref):
        zt = jnp.transpose(x_ref[...]) * scale
        o_ref[0, :, :half] = zt[:d_model]
        o_ref[0, :, half:] = zt[d_model:]

    return pl.pallas_call(
        body,
        grid=(s,),
        in_specs=[pl.BlockSpec((half, 2 * d_model), lambda i: (i, 0))],
        out_specs=pl.BlockSpec((1, d_model, b), lambda i: (i, 0, 0)),
        out_shape=jax.ShapeDtypeStruct((s, d_model, b), jnp.float32),
    )(packed)


def _make_lookup(n_idx, vocab, d_model):
    per_w = n_idx // _NW
    n_chunk = per_w // _CHUNK
    mesh = plsc.VectorSubcoreMesh(core_axis_name="c", subcore_axis_name="s")

    @functools.partial(
        pl.kernel,
        mesh=mesh,
        out_type=jax.ShapeDtypeStruct((n_idx, d_model), jnp.float32),
        scratch_types=[
            pltpu.VMEM((per_w,), jnp.int32),
            pltpu.VMEM((2 * _NG, _CHUNK, d_model), jnp.float32),
            pltpu.SemaphoreType.DMA,
            pltpu.SemaphoreType.DMA,
            pltpu.SemaphoreType.DMA,
            pltpu.SemaphoreType.DMA,
        ],
        compiler_params=pltpu.CompilerParams(use_tc_tiling_on_sc=False),
    )
    def lookup(table_hbm, idx_hbm, out_hbm, idx_v, gbuf, *sems):
        n_pair = n_chunk // (2 * _NG)
        wid = lax.axis_index("s") * _NUM_CORES + lax.axis_index("c")
        pltpu.sync_copy(idx_hbm.at[pl.ds(wid * per_w, per_w)], idx_v)

        def gather_desc(j, b, sem):
            return pltpu.make_async_copy(
                table_hbm.at[idx_v.at[pl.ds(j * _CHUNK, _CHUNK)]],
                gbuf.at[b],
                sem,
            )

        def scatter_desc(j, b, sem):
            base = (wid * n_chunk + j) * _CHUNK
            return pltpu.make_async_copy(
                gbuf.at[b], out_hbm.at[pl.ds(base, _CHUNK)], sem
            )

        def pair(gg, carry):
            j0 = 2 * gg * _NG

            @pl.when(gg > 0)
            def _():
                for b in range(_NG):
                    scatter_desc(j0 - 2 * _NG + b, b, sems[2]).wait()

            for b in range(_NG):
                gather_desc(j0 + b, b, sems[0]).start()

            @pl.when(gg > 0)
            def _():
                for b in range(_NG):
                    scatter_desc(j0 - _NG + b, _NG + b, sems[3]).wait()

            for b in range(_NG):
                gather_desc(j0 + _NG + b, _NG + b, sems[1]).start()
            for b in range(_NG):
                gather_desc(j0 + b, b, sems[0]).wait()
            for b in range(_NG):
                scatter_desc(j0 + b, b, sems[2]).start()
            for b in range(_NG):
                gather_desc(j0 + _NG + b, _NG + b, sems[1]).wait()
            for b in range(_NG):
                scatter_desc(j0 + _NG + b, _NG + b, sems[3]).start()
            return carry

        lax.fori_loop(0, n_pair, pair, 0)
        for b in range(_NG):
            scatter_desc(n_chunk - 2 * _NG + b, b, sems[2]).wait()
        for b in range(_NG):
            scatter_desc(n_chunk - _NG + b, _NG + b, sems[3]).wait()

    return lookup


def kernel(X, table):
    b, s = X.shape
    vocab, d_model = table.shape
    n_idx = b * s
    scale = math.sqrt(d_model)
    pad_w = 128 // d_model
    table_c = _conv_table(jnp.transpose(table)).reshape(
        pad_w * vocab, d_model
    )
    half = b // 2
    flat = jnp.transpose(X).reshape(n_idx).astype(jnp.int32)
    k = jnp.arange(n_idx, dtype=jnp.int32)
    perm = (k // b) * b + (k % 2) * half + (k % b) // 2
    idx = pad_w * jnp.take(flat, perm)
    gathered = _make_lookup(n_idx, pad_w * vocab, d_model)(table_c, idx)
    packed = gathered.reshape(n_idx // 2, 2 * d_model)
    out = _transpose_out(packed, b, s, d_model, scale)
    return jnp.transpose(out, (2, 0, 1))

# --- scband reference (transcript-rebuilt; emitter-appended) ---
"""Pipeline reference for scband-embedding-88227218194923 (READ-ONLY COPY).

The authoritative reference and input builder live on the scoring server;
editing this copy changes nothing except your own understanding.
"""

import jax, jax.numpy as jnp
import numpy as np
import math

VOCAB = 1000000
D_MODEL = 64

def setup_inputs(seed: int = 0) -> dict:
    key = jax.random.key(seed)
    k1, k2 = jax.random.split(key)
    X = jax.random.randint(k1, (4096, 200), 0, VOCAB, dtype=jnp.int64 if jax.config.jax_enable_x64 else jnp.int32)
    # embedding table, default nn.Embedding init is N(0,1)
    table = jax.random.normal(k2, (VOCAB, D_MODEL), dtype=jnp.float32)
    return {"X": X, "table": table}

def reference(X, table):
    out = jnp.take(table, X, axis=0) * math.sqrt(D_MODEL)
    return out

if __name__ == "__main__":
    import jax
    _d = setup_inputs()
    print(jax.jit(kernel)(*tuple(_d.values())))

</pallas_src>

<mosaic_0001>
#map = affine_map<(d0, d1) -> (0, 0)>
#map1 = affine_map<(d0, d1) -> (0)>
module attributes {stable_mosaic.version = 14 : i64} {
  func.func @lookup(%arg0: i32, %arg1: i32, %arg2: memref<2000000x64xf32, #tpu.memory_space<hbm>>, %arg3: memref<819200xi32, #tpu.memory_space<hbm>>, %arg4: memref<819200x64xf32, #tpu.memory_space<hbm>>, %arg5: memref<25600xi32, #tpu.memory_space<vmem>>, %arg6: memref<8x128x64xf32, #tpu.memory_space<vmem>>, %arg7: memref<!tpu.dma_semaphore, #tpu.memory_space<semaphore_mem>>, %arg8: memref<!tpu.dma_semaphore, #tpu.memory_space<semaphore_mem>>, %arg9: memref<!tpu.dma_semaphore, #tpu.memory_space<semaphore_mem>>, %arg10: memref<!tpu.dma_semaphore, #tpu.memory_space<semaphore_mem>>) attributes {dimension_semantics = [#tpu.dimension_semantics<core_parallel>, #tpu.dimension_semantics<subcore_parallel>], iteration_bounds = array<i64: 2, 16>, scalar_prefetch = 0 : i64, scratch_operands = 6 : i64, tpu.core_type = #tpu.core_type<sc_vector_subcore>, window_params = [{transform_indices = #map}, {transform_indices = #map1}, {transform_indices = #map}]} {
    %mul3A = arith.constant 2 : i32
    %mul3A_0 = arith.muli %arg1, %mul3A : i32
    %add3A = arith.addi %mul3A_0, %arg0 : i32
    %mul3A_1 = arith.constant 25600 : i32
    %mul3A_2 = arith.muli %add3A, %mul3A_1 : i32
    "tpu.region"() ({
      %run_scoped3A = tpu.sem_alloc : memref<!tpu.dma_semaphore, #tpu.memory_space<semaphore_mem>>
      %dma_start3A = tpu.memref_slice %arg3[%mul3A_2] : memref<819200xi32, #tpu.memory_space<hbm>> -> memref<25600xi32, #tpu.memory_space<hbm>>
      %dma_start3A_159 = tpu.memref_slice %arg3[%mul3A_2] : memref<819200xi32, #tpu.memory_space<hbm>> -> memref<25600xi32, #tpu.memory_space<hbm>>
      tpu.enqueue_dma source(%dma_start3A_159 : memref<25600xi32, #tpu.memory_space<hbm>>) target(%arg5 : memref<25600xi32, #tpu.memory_space<vmem>>) target_semaphore(%run_scoped3A : memref<!tpu.dma_semaphore, #tpu.memory_space<semaphore_mem>>)
      %dma_wait3A_160 = tpu.memref_slice %arg3[%mul3A_2] : memref<819200xi32, #tpu.memory_space<hbm>> -> memref<25600xi32, #tpu.memory_space<hbm>>
      %dma_wait3A_161 = tpu.memref_slice %arg3[%mul3A_2] : memref<819200xi32, #tpu.memory_space<hbm>> -> memref<25600xi32, #tpu.memory_space<hbm>>
      tpu.wait_dma2 semaphore(%run_scoped3A : memref<!tpu.dma_semaphore, #tpu.memory_space<semaphore_mem>>) src(%dma_wait3A_161 : memref<25600xi32, #tpu.memory_space<hbm>>) dst(%arg5 : memref<25600xi32, #tpu.memory_space<vmem>>)
      tpu.yield
    }) : () -> ()
    %scan3A = arith.constant 0 : i32
    %scan3A_3 = arith.constant 0 : i32
    %scan3A_4 = arith.constant 25 : i32
    %scan3A_5 = arith.addi %scan3A_3, %scan3A_4 : i32
    %scan3A_6 = arith.constant 1 : i32
    scf.for %scan3A_159 = %scan3A_3 to %scan3A_5 step %scan3A_6  : i32 {
      %mul3A_160 = arith.constant 2 : i32
      %mul3A_161 = arith.muli %mul3A_160, %scan3A_159 : i32
      %mul3A_162 = arith.constant 4 : i32
      %mul3A_163 = arith.muli %mul3A_161, %mul3A_162 : i32
      %gt3A = arith.constant 0 : i32
      %gt3A_164 = arith.cmpi sgt, %scan3A_159, %gt3A : i32
      %convert_element_type3A = arith.extui %gt3A_164 : i1 to i32
      %cond3A = arith.constant 0 : i32
      %cond3A_165 = arith.cmpi ne, %convert_element_type3A, %cond3A : i32
      scf.if %cond3A_165 {
        %sub3A = arith.constant 8 : i32
        %sub3A_562 = arith.subi %mul3A_163, %sub3A : i32
        %add3A_563 = arith.constant 0 : i32
        %add3A_564 = arith.addi %sub3A_562, %add3A_563 : i32
        %mul3A_565 = arith.constant 200 : i32
        %mul3A_566 = arith.muli %add3A, %mul3A_565 : i32
        %add3A_567 = arith.addi %mul3A_566, %add3A_564 : i32
        %mul3A_568 = arith.constant 128 : i32
        %mul3A_569 = arith.muli %add3A_567, %mul3A_568 : i32
        %dma_wait3A_570 = arith.constant 0 : i32
        %dma_wait3A_571 = arith.constant 0 : i32
        %dma_wait3A_572 = arith.constant 0 : i32
        %dma_wait3A_573 = tpu.memref_slice %arg6[%dma_wait3A_570, %dma_wait3A_571, %dma_wait3A_572] : memref<8x128x64xf32, #tpu.memory_space<vmem>> -> memref<1x128x64xf32, #tpu.memory_space<vmem>>
        %dma_wait3A_574 = tpu.memref_squeeze %dma_wait3A_573 : memref<1x128x64xf32, #tpu.memory_space<vmem>> -> memref<128x64xf32, #tpu.memory_space<vmem>>
        %dma_wait3A_575 = arith.constant 0 : i32
        %dma_wait3A_576 = tpu.memref_slice %arg4[%mul3A_569, %dma_wait3A_575] : memref<819200x64xf32, #tpu.memory_space<hbm>> -> memref<128x64xf32, #tpu.memory_space<hbm>>
        %dma_wait3A_577 = arith.constant 0 : i32
        %dma_wait3A_578 = tpu.memref_slice %arg4[%mul3A_569, %dma_wait3A_577] : memref<819200x64xf32, #tpu.memory_space<hbm>> -> memref<128x64xf32, #tpu.memory_space<hbm>>
        %dma_wait3A_579 = arith.constant 0 : i32
        %dma_wait3A_580 = arith.constant 0 : i32
        %dma_wait3A_581 = tpu.memref_slice %arg6[%dma_wait3A_570, %dma_wait3A_579, %dma_wait3A_580] : memref<8x128x64xf32, #tpu.memory_space<vmem>> -> memref<1x128x64xf32, #tpu.memory_space<vmem>>
        %dma_wait3A_582 = tpu.memref_squeeze %dma_wait3A_581 : memref<1x128x64xf32, #tpu.memory_space<vmem>> -> memref<128x64xf32, #tpu.memory_space<vmem>>
        tpu.wait_dma2 semaphore(%arg9 : memref<!tpu.dma_semaphore, #tpu.memory_space<semaphore_mem>>) src(%dma_wait3A_582 : memref<128x64xf32, #tpu.memory_space<vmem>>) dst(%dma_wait3A_578 : memref<128x64xf32, #tpu.memory_space<hbm>>)
        %sub3A_583 = arith.constant 8 : i32
        %sub3A_584 = arith.subi %mul3A_163, %sub3A_583 : i32
        %add3A_585 = arith.constant 1 : i32
        %add3A_586 = arith.addi %sub3A_584, %add3A_585 : i32
        %mul3A_587 = arith.constant 200 : i32
        %mul3A_588 = arith.muli %add3A, %mul3A_587 : i32
        %add3A_589 = arith.addi %mul3A_588, %add3A_586 : i32
        %mul3A_590 = arith.constant 128 : i32
        %mul3A_591 = arith.muli %add3A_589, %mul3A_590 : i32
        %dma_wait3A_592 = arith.constant 1 : i32
        %dma_wait3A_593 = arith.constant 0 : i32
        %dma_wait3A_594 = arith.constant 0 : i32
        %dma_wait3A_595 = tpu.memref_slice %arg6[%dma_wait3A_592, %dma_wait3A_593, %dma_wait3A_594] : memref<8x128x64xf32, #tpu.memory_space<vmem>> -> memref<1x128x64xf32, #tpu.memory_space<vmem>>
        %dma_wait3A_596 = tpu.memref_squeeze %dma_wait3A_595 : memref<1x128x64xf32, #tpu.memory_space<vmem>> -> memref<128x64xf32, #tpu.memory_space<vmem>>
        %dma_wait3A_597 = arith.constant 0 : i32
        %dma_wait3A_598 = tpu.memref_slice %arg4[%mul3A_591, %dma_wait3A_597] : memref<819200x64xf32, #tpu.memory_space<hbm>> -> memref<128x64xf32, #tpu.memory_space<hbm>>
        %dma_wait3A_599 = arith.constant 0 : i32
        %dma_wait3A_600 = tpu.memref_slice %arg4[%mul3A_591, %dma_wait3A_599] : memref<819200x64xf32, #tpu.memory_space<hbm>> -> memref<128x64xf32, #tpu.memory_space<hbm>>
        %dma_wait3A_601 = arith.constant 0 : i32
        %dma_wait3A_602 = arith.constant 0 : i32
        %dma_wait3A_603 = tpu.memref_slice %arg6[%dma_wait3A_592, %dma_wait3A_601, %dma_wait3A_602] : memref<8x128x64xf32, #tpu.memory_space<vmem>> -> memref<1x128x64xf32, #tpu.memory_space<vmem>>
        %dma_wait3A_604 = tpu.memref_squeeze %dma_wait3A_603 : memref<1x128x64xf32, #tpu.memory_space<vmem>> -> memref<128x64xf32, #tpu.memory_space<vmem>>
        tpu.wait_dma2 semaphore(%arg9 : memref<!tpu.dma_semaphore, #tpu.memory_space<semaphore_mem>>) src(%dma_wait3A_604 : memref<128x64xf32, #tpu.memory_space<vmem>>) dst(%dma_wait3A_600 : memref<128x64xf32, #tpu.memory_space<hbm>>)
        %sub3A_605 = arith.constant 8 : i32
        %sub3A_606 = arith.subi %mul3A_163, %sub3A_605 : i32
        %add3A_607 = arith.constant 2 : i32
        %add3A_608 = arith.addi %sub3A_606, %add3A_607 : i32
        %mul3A_609 = arith.constant 200 : i32
        %mul3A_610 = arith.muli %add3A, %mul3A_609 : i32
        %add3A_611 = arith.addi %mul3A_610, %add3A_608 : i32
        %mul3A_612 = arith.constant 128 : i32
        %mul3A_613 = arith.muli %add3A_611, %mul3A_612 : i32
        %dma_wait3A_614 = arith.constant 2 : i32
        %dma_wait3A_615 = arith.constant 0 : i32
        %dma_wait3A_616 = arith.constant 0 : i32
        %dma_wait3A_617 = tpu.memref_slice %arg6[%dma_wait3A_614, %dma_wait3A_615, %dma_wait3A_616] : memref<8x128x64xf32, #tpu.memory_space<vmem>> -> memref<1x128x64xf32, #tpu.memory_space<vmem>>
        %dma_wait3A_618 = tpu.memref_squeeze %dma_wait3A_617 : memref<1x128x64xf32, #tpu.memory_space<vmem>> -> memref<128x64xf32, #tpu.memory_space<vmem>>
        %dma_wait3A_619 = arith.constant 0 : i32
        %dma_wait3A_620 = tpu.memref_slice %arg4[%mul3A_613, %dma_wait3A_619] : memref<819200x64xf32, #tpu.memory_space<hbm>> -> memref<128x64xf32, #tpu.memory_space<hbm>>
        %dma_wait3A_621 = arith.constant 0 : i32
        %dma_wait3A_622 = tpu.memref_slice %arg4[%mul3A_613, %dma_wait3A_621] : memref<819200x64xf32, #tpu.memory_space<hbm>> -> memref<128x64xf32, #tpu.memory_space<hbm>>
        %dma_wait3A_623 = arith.constant 0 : i32
        %dma_wait3A_624 = arith.constant 0 : i32
        %dma_wait3A_625 = tpu.memref_slice %arg6[%dma_wait3A_614, %dma_wait3A_623, %dma_wait3A_624] : memref<8x128x64xf32, #tpu.memory_space<vmem>> -> memref<1x128x64xf32, #tpu.memory_space<vmem>>
        %dma_wait3A_626 = tpu.memref_squeeze %dma_wait3A_625 : memref<1x128x64xf32, #tpu.memory_space<vmem>> -> memref<128x64xf32, #tpu.memory_space<vmem>>
        tpu.wait_dma2 semaphore(%arg9 : memref<!tpu.dma_semaphore, #tpu.memory_space<semaphore_mem>>) src(%dma_wait3A_626 : memref<128x64xf32, #tpu.memory_space<vmem>>) dst(%dma_wait3A_622 : memref<128x64xf32, #tpu.memory_space<hbm>>)
        %sub3A_627 = arith.constant 8 : i32
        %sub3A_628 = arith.subi %mul3A_163, %sub3A_627 : i32
        %add3A_629 = arith.constant 3 : i32
        %add3A_630 = arith.addi %sub3A_628, %add3A_629 : i32
        %mul3A_631 = arith.constant 200 : i32
        %mul3A_632 = arith.muli %add3A, %mul3A_631 : i32
        %add3A_633 = arith.addi %mul3A_632, %add3A_630 : i32
        %mul3A_634 = arith.constant 128 : i32
        %mul3A_635 = arith.muli %add3A_633, %mul3A_634 : i32
        %dma_wait3A_636 = arith.constant 3 : i32
        %dma_wait3A_637 = arith.constant 0 : i32
        %dma_wait3A_638 = arith.constant 0 : i32
        %dma_wait3A_639 = tpu.memref_slice %arg6[%dma_wait3A_636, %dma_wait3A_637, %dma_wait3A_638] : memref<8x128x64xf32, #tpu.memory_space<vmem>> -> memref<1x128x64xf32, #tpu.memory_space<vmem>>
        %dma_wait3A_640 = tpu.memref_squeeze %dma_wait3A_639 : memref<1x128x64xf32, #tpu.memory_space<vmem>> -> memref<128x64xf32, #tpu.memory_space<vmem>>
        %dma_wait3A_641 = arith.constant 0 : i32
        %dma_wait3A_642 = tpu.memref_slice %arg4[%mul3A_635, %dma_wait3A_641] : memref<819200x64xf32, #tpu.memory_space<hbm>> -> memref<128x64xf32, #tpu.memory_space<hbm>>
        %dma_wait3A_643 = arith.constant 0 : i32
        %dma_wait3A_644 = tpu.memref_slice %arg4[%mul3A_635, %dma_wait3A_643] : memref<819200x64xf32, #tpu.memory_space<hbm>> -> memref<128x64xf32, #tpu.memory_space<hbm>>
        %dma_wait3A_645 = arith.constant 0 : i32
        %dma_wait3A_646 = arith.constant 0 : i32
        %dma_wait3A_647 = tpu.memref_slice %arg6[%dma_wait3A_636, %dma_wait3A_645, %dma_wait3A_646] : memref<8x128x64xf32, #tpu.memory_space<vmem>> -> memref<1x128x64xf32, #tpu.memory_space<vmem>>
        %dma_wait3A_648 = tpu.memref_squeeze %dma_wait3A_647 : memref<1x128x64xf32, #tpu.memory_space<vmem>> -> memref<128x64xf32, #tpu.memory_space<vmem>>
        tpu.wait_dma2 semaphore(%arg9 : memref<!tpu.dma_semaphore, #tpu.memory_space<semaphore_mem>>) src(%dma_wait3A_648 : memref<128x64xf32, #tpu.memory_space<vmem>>) dst(%dma_wait3A_644 : memref<128x64xf32, #tpu.memory_space<hbm>>)
      } else {
      }
      %add3A_166 = arith.constant 0 : i32
      %add3A_167 = arith.addi %mul3A_163, %add3A_166 : i32
      %mul3A_168 = arith.constant 128 : i32
      %mul3A_169 = arith.muli %add3A_167, %mul3A_168 : i32
      %dma_start3A = arith.constant 0 : i32
      %dma_start3A_170 = arith.constant 0 : i32
      %dma_start3A_171 = arith.constant 0 : i32
      %dma_start3A_172 = tpu.memref_slice %arg6[%dma_start3A, %dma_start3A_170, %dma_start3A_171] : memref<8x128x64xf32, #tpu.memory_space<vmem>> -> memref<1x128x64xf32, #tpu.memory_space<vmem>>
      %dma_start3A_173 = tpu.memref_squeeze %dma_start3A_172 : memref<1x128x64xf32, #tpu.memory_space<vmem>> -> memref<128x64xf32, #tpu.memory_space<vmem>>
      %dma_start3A_174 = tpu.memref_slice %arg5[%mul3A_169] : memref<25600xi32, #tpu.memory_space<vmem>> -> memref<128xi32, #tpu.memory_space<vmem>>
      %dma_start3A_175 = arith.constant 0 : i32
      %dma_start3A_176 = arith.constant 0 : i32
      %dma_start3A_177 = tpu.memref_slice %arg2[%dma_start3A_175, %dma_start3A_176] : memref<2000000x64xf32, #tpu.memory_space<hbm>> -> memref<2000000x64xf32, #tpu.memory_space<hbm>>
      tpu.enqueue_indirect_dma source(%dma_start3A_177 : memref<2000000x64xf32, #tpu.memory_space<hbm>>) target(%dma_start3A_173 : memref<128x64xf32, #tpu.memory_space<vmem>>) offsets(%dma_start3A_174 : memref<128xi32, #tpu.memory_space<vmem>>) semaphore(%arg7 : memref<!tpu.dma_semaphore, #tpu.memory_space<semaphore_mem>>)
      %add3A_178 = arith.constant 1 : i32
      %add3A_179 = arith.addi %mul3A_163, %add3A_178 : i32
      %mul3A_180 = arith.constant 128 : i32
      %mul3A_181 = arith.muli %add3A_179, %mul3A_180 : i32
      %dma_start3A_182 = arith.constant 1 : i32
      %dma_start3A_183 = arith.constant 0 : i32
      %dma_start3A_184 = arith.constant 0 : i32
      %dma_start3A_185 = tpu.memref_slice %arg6[%dma_start3A_182, %dma_start3A_183, %dma_start3A_184] : memref<8x128x64xf32, #tpu.memory_space<vmem>> -> memref<1x128x64xf32, #tpu.memory_space<vmem>>
      %dma_start3A_186 = tpu.memref_squeeze %dma_start3A_185 : memref<1x128x64xf32, #tpu.memory_space<vmem>> -> memref<128x64xf32, #tpu.memory_space<vmem>>
      %dma_start3A_187 = tpu.memref_slice %arg5[%mul3A_181] : memref<25600xi32, #tpu.memory_space<vmem>> -> memref<128xi32, #tpu.memory_space<vmem>>
      %dma_start3A_188 = arith.constant 0 : i32
      %dma_start3A_189 = arith.constant 0 : i32
      %dma_start3A_190 = tpu.memref_slice %arg2[%dma_start3A_188, %dma_start3A_189] : memref<2000000x64xf32, #tpu.memory_space<hbm>> -> memref<2000000x64xf32, #tpu.memory_space<hbm>>
      tpu.enqueue_indirect_dma source(%dma_start3A_190 : memref<2000000x64xf32, #tpu.memory_space<hbm>>) target(%dma_start3A_186 : memref<128x64xf32, #tpu.memory_space<vmem>>) offsets(%dma_start3A_187 : memref<128xi32, #tpu.memory_space<vmem>>) semaphore(%arg7 : memref<!tpu.dma_semaphore, #tpu.memory_space<semaphore_mem>>)
      %add3A_191 = arith.constant 2 : i32
      %add3A_192 = arith.addi %mul3A_163, %add3A_191 : i32
      %mul3A_193 = arith.constant 128 : i32
      %mul3A_194 = arith.muli %add3A_192, %mul3A_193 : i32
      %dma_start3A_195 = arith.constant 2 : i32
      %dma_start3A_196 = arith.constant 0 : i32
      %dma_start3A_197 = arith.constant 0 : i32
      %dma_start3A_198 = tpu.memref_slice %arg6[%dma_start3A_195, %dma_start3A_196, %dma_start3A_197] : memref<8x128x64xf32, #tpu.memory_space<vmem>> -> memref<1x128x64xf32, #tpu.memory_space<vmem>>
      %dma_start3A_199 = tpu.memref_squeeze %dma_start3A_198 : memref<1x128x64xf32, #tpu.memory_space<vmem>> -> memref<128x64xf32, #tpu.memory_space<vmem>>
      %dma_start3A_200 = tpu.memref_slice %arg5[%mul3A_194] : memref<25600xi32, #tpu.memory_space<vmem>> -> memref<128xi32, #tpu.memory_space<vmem>>
      %dma_start3A_201 = arith.constant 0 : i32
      %dma_start3A_202 = arith.constant 0 : i32
      %dma_start3A_203 = tpu.memref_slice %arg2[%dma_start3A_201, %dma_start3A_202] : memref<2000000x64xf32, #tpu.memory_space<hbm>> -> memref<2000000x64xf32, #tpu.memory_space<hbm>>
      tpu.enqueue_indirect_dma source(%dma_start3A_203 : memref<2000000x64xf32, #tpu.memory_space<hbm>>) target(%dma_start3A_199 : memref<128x64xf32, #tpu.memory_space<vmem>>) offsets(%dma_start3A_200 : memref<128xi32, #tpu.memory_space<vmem>>) semaphore(%arg7 : memref<!tpu.dma_semaphore, #tpu.memory_space<semaphore_mem>>)
      %add3A_204 = arith.constant 3 : i32
      %add3A_205 = arith.addi %mul3A_163, %add3A_204 : i32
      %mul3A_206 = arith.constant 128 : i32
      %mul3A_207 = arith.muli %add3A_205, %mul3A_206 : i32
      %dma_start3A_208 = arith.constant 3 : i32
      %dma_start3A_209 = arith.constant 0 : i32
      %dma_start3A_210 = arith.constant 0 : i32
      %dma_start3A_211 = tpu.memref_slice %arg6[%dma_start3A_208, %dma_start3A_209, %dma_start3A_210] : memref<8x128x64xf32, #tpu.memory_space<vmem>> -> memref<1x128x64xf32, #tpu.memory_space<vmem>>
      %dma_start3A_212 = tpu.memref_squeeze %dma_start3A_211 : memref<1x128x64xf32, #tpu.memory_space<vmem>> -> memref<128x64xf32, #tpu.memory_space<vmem>>
      %dma_start3A_213 = tpu.memref_slice %arg5[%mul3A_207] : memref<25600xi32, #tpu.memory_space<vmem>> -> memref<128xi32, #tpu.memory_space<vmem>>
      %dma_start3A_214 = arith.constant 0 : i32
      %dma_start3A_215 = arith.constant 0 : i32
      %dma_start3A_216 = tpu.memref_slice %arg2[%dma_start3A_214, %dma_start3A_215] : memref<2000000x64xf32, #tpu.memory_space<hbm>> -> memref<2000000x64xf32, #tpu.memory_space<hbm>>
      tpu.enqueue_indirect_dma source(%dma_start3A_216 : memref<2000000x64xf32, #tpu.memory_space<hbm>>) target(%dma_start3A_212 : memref<128x64xf32, #tpu.memory_space<vmem>>) offsets(%dma_start3A_213 : memref<128xi32, #tpu.memory_space<vmem>>) semaphore(%arg7 : memref<!tpu.dma_semaphore, #tpu.memory_space<semaphore_mem>>)
      %gt3A_217 = arith.constant 0 : i32
      %gt3A_218 = arith.cmpi sgt, %scan3A_159, %gt3A_217 : i32
      %convert_element_type3A_219 = arith.extui %gt3A_218 : i1 to i32
      %cond3A_220 = arith.constant 0 : i32
      %cond3A_221 = arith.cmpi ne, %convert_element_type3A_219, %cond3A_220 : i32
      scf.if %cond3A_221 {
        %sub3A = arith.constant 4 : i32
        %sub3A_562 = arith.subi %mul3A_163, %sub3A : i32
        %add3A_563 = arith.constant 0 : i32
        %add3A_564 = arith.addi %sub3A_562, %add3A_563 : i32
        %mul3A_565 = arith.constant 200 : i32
        %mul3A_566 = arith.muli %add3A, %mul3A_565 : i32
        %add3A_567 = arith.addi %mul3A_566, %add3A_564 : i32
        %mul3A_568 = arith.constant 128 : i32
        %mul3A_569 = arith.muli %add3A_567, %mul3A_568 : i32
        %dma_wait3A_570 = arith.constant 4 : i32
        %dma_wait3A_571 = arith.constant 0 : i32
        %dma_wait3A_572 = arith.constant 0 : i32
        %dma_wait3A_573 = tpu.memref_slice %arg6[%dma_wait3A_570, %dma_wait3A_571, %dma_wait3A_572] : memref<8x128x64xf32, #tpu.memory_space<vmem>> -> memref<1x128x64xf32, #tpu.memory_space<vmem>>
        %dma_wait3A_574 = tpu.memref_squeeze %dma_wait3A_573 : memref<1x128x64xf32, #tpu.memory_space<vmem>> -> memref<128x64xf32, #tpu.memory_space<vmem>>
        %dma_wait3A_575 = arith.constant 0 : i32
        %dma_wait3A_576 = tpu.memref_slice %arg4[%mul3A_569, %dma_wait3A_575] : memref<819200x64xf32, #tpu.memory_space<hbm>> -> memref<128x64xf32, #tpu.memory_space<hbm>>
        %dma_wait3A_577 = arith.constant 0 : i32
        %dma_wait3A_578 = tpu.memref_slice %arg4[%mul3A_569, %dma_wait3A_577] : memref<819200x64xf32, #tpu.memory_space<hbm>> -> memref<128x64xf32, #tpu.memory_space<hbm>>
        %dma_wait3A_579 = arith.constant 0 : i32
        %dma_wait3A_580 = arith.constant 0 : i32
        %dma_wait3A_581 = tpu.memref_slice %arg6[%dma_wait3A_570, %dma_wait3A_579, %dma_wait3A_580] : memref<8x128x64xf32, #tpu.memory_space<vmem>> -> memref<1x128x64xf32, #tpu.memory_space<vmem>>
        %dma_wait3A_582 = tpu.memref_squeeze %dma_wait3A_581 : memref<1x128x64xf32, #tpu.memory_space<vmem>> -> memref<128x64xf32, #tpu.memory_space<vmem>>
        tpu.wait_dma2 semaphore(%arg10 : memref<!tpu.dma_semaphore, #tpu.memory_space<semaphore_mem>>) src(%dma_wait3A_582 : memref<128x64xf32, #tpu.memory_space<vmem>>) dst(%dma_wait3A_578 : memref<128x64xf32, #tpu.memory_space<hbm>>)
        %sub3A_583 = arith.constant 4 : i32
        %sub3A_584 = arith.subi %mul3A_163, %sub3A_583 : i32
        %add3A_585 = arith.constant 1 : i32
        %add3A_586 = arith.addi %sub3A_584, %add3A_585 : i32
        %mul3A_587 = arith.constant 200 : i32
        %mul3A_588 = arith.muli %add3A, %mul3A_587 : i32
        %add3A_589 = arith.addi %mul3A_588, %add3A_586 : i32
        %mul3A_590 = arith.constant 128 : i32
        %mul3A_591 = arith.muli %add3A_589, %mul3A_590 : i32
        %dma_wait3A_592 = arith.constant 5 : i32
        %dma_wait3A_593 = arith.constant 0 : i32
        %dma_wait3A_594 = arith.constant 0 : i32
        %dma_wait3A_595 = tpu.memref_slice %arg6[%dma_wait3A_592, %dma_wait3A_593, %dma_wait3A_594] : memref<8x128x64xf32, #tpu.memory_space<vmem>> -> memref<1x128x64xf32, #tpu.memory_space<vmem>>
        %dma_wait3A_596 = tpu.memref_squeeze %dma_wait3A_595 : memref<1x128x64xf32, #tpu.memory_space<vmem>> -> memref<128x64xf32, #tpu.memory_space<vmem>>
        %dma_wait3A_597 = arith.constant 0 : i32
        %dma_wait3A_598 = tpu.memref_slice %arg4[%mul3A_591, %dma_wait3A_597] : memref<819200x64xf32, #tpu.memory_space<hbm>> -> memref<128x64xf32, #tpu.memory_space<hbm>>
        %dma_wait3A_599 = arith.constant 0 : i32
        %dma_wait3A_600 = tpu.memref_slice %arg4[%mul3A_591, %dma_wait3A_599] : memref<819200x64xf32, #tpu.memory_space<hbm>> -> memref<128x64xf32, #tpu.memory_space<hbm>>
        %dma_wait3A_601 = arith.constant 0 : i32
        %dma_wait3A_602 = arith.constant 0 : i32
        %dma_wait3A_603 = tpu.memref_slice %arg6[%dma_wait3A_592, %dma_wait3A_601, %dma_wait3A_602] : memref<8x128x64xf32, #tpu.memory_space<vmem>> -> memref<1x128x64xf32, #tpu.memory_space<vmem>>
        %dma_wait3A_604 = tpu.memref_squeeze %dma_wait3A_603 : memref<1x128x64xf32, #tpu.memory_space<vmem>> -> memref<128x64xf32, #tpu.memory_space<vmem>>
        tpu.wait_dma2 semaphore(%arg10 : memref<!tpu.dma_semaphore, #tpu.memory_space<semaphore_mem>>) src(%dma_wait3A_604 : memref<128x64xf32, #tpu.memory_space<vmem>>) dst(%dma_wait3A_600 : memref<128x64xf32, #tpu.memory_space<hbm>>)
        %sub3A_605 = arith.constant 4 : i32
        %sub3A_606 = arith.subi %mul3A_163, %sub3A_605 : i32
        %add3A_607 = arith.constant 2 : i32
        %add3A_608 = arith.addi %sub3A_606, %add3A_607 : i32
        %mul3A_609 = arith.constant 200 : i32
        %mul3A_610 = arith.muli %add3A, %mul3A_609 : i32
        %add3A_611 = arith.addi %mul3A_610, %add3A_608 : i32
        %mul3A_612 = arith.constant 128 : i32
        %mul3A_613 = arith.muli %add3A_611, %mul3A_612 : i32
        %dma_wait3A_614 = arith.constant 6 : i32
        %dma_wait3A_615 = arith.constant 0 : i32
        %dma_wait3A_616 = arith.constant 0 : i32
        %dma_wait3A_617 = tpu.memref_slice %arg6[%dma_wait3A_614, %dma_wait3A_615, %dma_wait3A_616] : memref<8x128x64xf32, #tpu.memory_space<vmem>> -> memref<1x128x64xf32, #tpu.memory_space<vmem>>
        %dma_wait3A_618 = tpu.memref_squeeze %dma_wait3A_617 : memref<1x128x64xf32, #tpu.memory_space<vmem>> -> memref<128x64xf32, #tpu.memory_space<vmem>>
        %dma_wait3A_619 = arith.constant 0 : i32
        %dma_wait3A_620 = tpu.memref_slice %arg4[%mul3A_613, %dma_wait3A_619] : memref<819200x64xf32, #tpu.memory_space<hbm>> -> memref<128x64xf32, #tpu.memory_space<hbm>>
        %dma_wait3A_621 = arith.constant 0 : i32
        %dma_wait3A_622 = tpu.memref_slice %arg4[%mul3A_613, %dma_wait3A_621] : memref<819200x64xf32, #tpu.memory_space<hbm>> -> memref<128x64xf32, #tpu.memory_space<hbm>>
        %dma_wait3A_623 = arith.constant 0 : i32
        %dma_wait3A_624 = arith.constant 0 : i32
        %dma_wait3A_625 = tpu.memref_slice %arg6[%dma_wait3A_614, %dma_wait3A_623, %dma_wait3A_624] : memref<8x128x64xf32, #tpu.memory_space<vmem>> -> memref<1x128x64xf32, #tpu.memory_space<vmem>>
        %dma_wait3A_626 = tpu.memref_squeeze %dma_wait3A_625 : memref<1x128x64xf32, #tpu.memory_space<vmem>> -> memref<128x64xf32, #tpu.memory_space<vmem>>
        tpu.wait_dma2 semaphore(%arg10 : memref<!tpu.dma_semaphore, #tpu.memory_space<semaphore_mem>>) src(%dma_wait3A_626 : memref<128x64xf32, #tpu.memory_space<vmem>>) dst(%dma_wait3A_622 : memref<128x64xf32, #tpu.memory_space<hbm>>)
        %sub3A_627 = arith.constant 4 : i32
        %sub3A_628 = arith.subi %mul3A_163, %sub3A_627 : i32
        %add3A_629 = arith.constant 3 : i32
        %add3A_630 = arith.addi %sub3A_628, %add3A_629 : i32
        %mul3A_631 = arith.constant 200 : i32
        %mul3A_632 = arith.muli %add3A, %mul3A_631 : i32
        %add3A_633 = arith.addi %mul3A_632, %add3A_630 : i32
        %mul3A_634 = arith.constant 128 : i32
        %mul3A_635 = arith.muli %add3A_633, %mul3A_634 : i32
        %dma_wait3A_636 = arith.constant 7 : i32
        %dma_wait3A_637 = arith.constant 0 : i32
        %dma_wait3A_638 = arith.constant 0 : i32
        %dma_wait3A_639 = tpu.memref_slice %arg6[%dma_wait3A_636, %dma_wait3A_637, %dma_wait3A_638] : memref<8x128x64xf32, #tpu.memory_space<vmem>> -> memref<1x128x64xf32, #tpu.memory_space<vmem>>
        %dma_wait3A_640 = tpu.memref_squeeze %dma_wait3A_639 : memref<1x128x64xf32, #tpu.memory_space<vmem>> -> memref<128x64xf32, #tpu.memory_space<vmem>>
        %dma_wait3A_641 = arith.constant 0 : i32
        %dma_wait3A_642 = tpu.memref_slice %arg4[%mul3A_635, %dma_wait3A_641] : memref<819200x64xf32, #tpu.memory_space<hbm>> -> memref<128x64xf32, #tpu.memory_space<hbm>>
        %dma_wait3A_643 = arith.constant 0 : i32
        %dma_wait3A_644 = tpu.memref_slice %arg4[%mul3A_635, %dma_wait3A_643] : memref<819200x64xf32, #tpu.memory_space<hbm>> -> memref<128x64xf32, #tpu.memory_space<hbm>>
        %dma_wait3A_645 = arith.constant 0 : i32
        %dma_wait3A_646 = arith.constant 0 : i32
        %dma_wait3A_647 = tpu.memref_slice %arg6[%dma_wait3A_636, %dma_wait3A_645, %dma_wait3A_646] : memref<8x128x64xf32, #tpu.memory_space<vmem>> -> memref<1x128x64xf32, #tpu.memory_space<vmem>>
        %dma_wait3A_648 = tpu.memref_squeeze %dma_wait3A_647 : memref<1x128x64xf32, #tpu.memory_space<vmem>> -> memref<128x64xf32, #tpu.memory_space<vmem>>
        tpu.wait_dma2 semaphore(%arg10 : memref<!tpu.dma_semaphore, #tpu.memory_space<semaphore_mem>>) src(%dma_wait3A_648 : memref<128x64xf32, #tpu.memory_space<vmem>>) dst(%dma_wait3A_644 : memref<128x64xf32, #tpu.memory_space<hbm>>)
      } else {
      }
      %add3A_222 = arith.constant 4 : i32
      %add3A_223 = arith.addi %mul3A_163, %add3A_222 : i32
      %add3A_224 = arith.constant 0 : i32
      %add3A_225 = arith.addi %add3A_223, %add3A_224 : i32
      %mul3A_226 = arith.constant 128 : i32
      %mul3A_227 = arith.muli %add3A_225, %mul3A_226 : i32
      %dma_start3A_228 = arith.constant 4 : i32
      %dma_start3A_229 = arith.constant 0 : i32
      %dma_start3A_230 = arith.constant 0 : i32
      %dma_start3A_231 = tpu.memref_slice %arg6[%dma_start3A_228, %dma_start3A_229, %dma_start3A_230] : memref<8x128x64xf32, #tpu.memory_space<vmem>> -> memref<1x128x64xf32, #tpu.memory_space<vmem>>
      %dma_start3A_232 = tpu.memref_squeeze %dma_start3A_231 : memref<1x128x64xf32, #tpu.memory_space<vmem>> -> memref<128x64xf32, #tpu.memory_space<vmem>>
      %dma_start3A_233 = tpu.memref_slice %arg5[%mul3A_227] : memref<25600xi32, #tpu.memory_space<vmem>> -> memref<128xi32, #tpu.memory_space<vmem>>
      %dma_start3A_234 = arith.constant 0 : i32
      %dma_start3A_235 = arith.constant 0 : i32
      %dma_start3A_236 = tpu.memref_slice %arg2[%dma_start3A_234, %dma_start3A_235] : memref<2000000x64xf32, #tpu.memory_space<hbm>> -> memref<2000000x64xf32, #tpu.memory_space<hbm>>
      tpu.enqueue_indirect_dma source(%dma_start3A_236 : memref<2000000x64xf32, #tpu.memory_space<hbm>>) target(%dma_start3A_232 : memref<128x64xf32, #tpu.memory_space<vmem>>) offsets(%dma_start3A_233 : memref<128xi32, #tpu.memory_space<vmem>>) semaphore(%arg8 : memref<!tpu.dma_semaphore, #tpu.memory_space<semaphore_mem>>)
      %add3A_237 = arith.constant 4 : i32
      %add3A_238 = arith.addi %mul3A_163, %add3A_237 : i32
      %add3A_239 = arith.constant 1 : i32
      %add3A_240 = arith.addi %add3A_238, %add3A_239 : i32
      %mul3A_241 = arith.constant 128 : i32
      %mul3A_242 = arith.muli %add3A_240, %mul3A_241 : i32
      %dma_start3A_243 = arith.constant 5 : i32
      %dma_start3A_244 = arith.constant 0 : i32
      %dma_start3A_245 = arith.constant 0 : i32
      %dma_start3A_246 = tpu.memref_slice %arg6[%dma_start3A_243, %dma_start3A_244, %dma_start3A_245] : memref<8x128x64xf32, #tpu.memory_space<vmem>> -> memref<1x128x64xf32, #tpu.memory_space<vmem>>
      %dma_start3A_247 = tpu.memref_squeeze %dma_start3A_246 : memref<1x128x64xf32, #tpu.memory_space<vmem>> -> memref<128x64xf32, #tpu.memory_space<vmem>>
      %dma_start3A_248 = tpu.memref_slice %arg5[%mul3A_242] : memref<25600xi32, #tpu.memory_space<vmem>> -> memref<128xi32, #tpu.memory_space<vmem>>
      %dma_start3A_249 = arith.constant 0 : i32
      %dma_start3A_250 = arith.constant 0 : i32
      %dma_start3A_251 = tpu.memref_slice %arg2[%dma_start3A_249, %dma_start3A_250] : memref<2000000x64xf32, #tpu.memory_space<hbm>> -> memref<2000000x64xf32, #tpu.memory_space<hbm>>
      tpu.enqueue_indirect_dma source(%dma_start3A_251 : memref<2000000x64xf32, #tpu.memory_space<hbm>>) target(%dma_start3A_247 : memref<128x64xf32, #tpu.memory_space<vmem>>) offsets(%dma_start3A_248 : memref<128xi32, #tpu.memory_space<vmem>>) semaphore(%arg8 : memref<!tpu.dma_semaphore, #tpu.memory_space<semaphore_mem>>)
      %add3A_252 = arith.constant 4 : i32
      %add3A_253 = arith.addi %mul3A_163, %add3A_252 : i32
      %add3A_254 = arith.constant 2 : i32
      %add3A_255 = arith.addi %add3A_253, %add3A_254 : i32
      %mul3A_256 = arith.constant 128 : i32
      %mul3A_257 = arith.muli %add3A_255, %mul3A_256 : i32
      %dma_start3A_258 = arith.constant 6 : i32
      %dma_start3A_259 = arith.constant 0 : i32
      %dma_start3A_260 = arith.constant 0 : i32
      %dma_start3A_261 = tpu.memref_slice %arg6[%dma_start3A_258, %dma_start3A_259, %dma_start3A_260] : memref<8x128x64xf32, #tpu.memory_space<vmem>> -> memref<1x128x64xf32, #tpu.memory_space<vmem>>
      %dma_start3A_262 = tpu.memref_squeeze %dma_start3A_261 : memref<1x128x64xf32, #tpu.memory_space<vmem>> -> memref<128x64xf32, #tpu.memory_space<vmem>>
      %dma_start3A_263 = tpu.memref_slice %arg5[%mul3A_257] : memref<25600xi32, #tpu.memory_space<vmem>> -> memref<128xi32, #tpu.memory_space<vmem>>
      %dma_start3A_264 = arith.constant 0 : i32
      %dma_start3A_265 = arith.constant 0 : i32
      %dma_start3A_266 = tpu.memref_slice %arg2[%dma_start3A_264, %dma_start3A_265] : memref<2000000x64xf32, #tpu.memory_space<hbm>> -> memref<2000000x64xf32, #tpu.memory_space<hbm>>
      tpu.enqueue_indirect_dma source(%dma_start3A_266 : memref<2000000x64xf32, #tpu.memory_space<hbm>>) target(%dma_start3A_262 : memref<128x64xf32, #tpu.memory_space<vmem>>) offsets(%dma_start3A_263 : memref<128xi32, #tpu.memory_space<vmem>>) semaphore(%arg8 : memref<!tpu.dma_semaphore, #tpu.memory_space<semaphore_mem>>)
      %add3A_267 = arith.constant 4 : i32
      %add3A_268 = arith.addi %mul3A_163, %add3A_267 : i32
      %add3A_269 = arith.constant 3 : i32
      %add3A_270 = arith.addi %add3A_268, %add3A_269 : i32
      %mul3A_271 = arith.constant 128 : i32
      %mul3A_272 = arith.muli %add3A_270, %mul3A_271 : i32
      %dma_start3A_273 = arith.constant 7 : i32
      %dma_start3A_274 = arith.constant 0 : i32
      %dma_start3A_275 = arith.constant 0 : i32
      %dma_start3A_276 = tpu.memref_slice %arg6[%dma_start3A_273, %dma_start3A_274, %dma_start3A_275] : memref<8x128x64xf32, #tpu.memory_space<vmem>> -> memref<1x128x64xf32, #tpu.memory_space<vmem>>
      %dma_start3A_277 = tpu.memref_squeeze %dma_start3A_276 : memref<1x128x64xf32, #tpu.memory_space<vmem>> -> memref<128x64xf32, #tpu.memory_space<vmem>>
      %dma_start3A_278 = tpu.memref_slice %arg5[%mul3A_272] : memref<25600xi32, #tpu.memory_space<vmem>> -> memref<128xi32, #tpu.memory_space<vmem>>
      %dma_start3A_279 = arith.constant 0 : i32
      %dma_start3A_280 = arith.constant 0 : i32
      %dma_start3A_281 = tpu.memref_slice %arg2[%dma_start3A_279, %dma_start3A_280] : memref<2000000x64xf32, #tpu.memory_space<hbm>> -> memref<2000000x64xf32, #tpu.memory_space<hbm>>
      tpu.enqueue_indirect_dma source(%dma_start3A_281 : memref<2000000x64xf32, #tpu.memory_space<hbm>>) target(%dma_start3A_277 : memref<128x64xf32, #tpu.memory_space<vmem>>) offsets(%dma_start3A_278 : memref<128xi32, #tpu.memory_space<vmem>>) semaphore(%arg8 : memref<!tpu.dma_semaphore, #tpu.memory_space<semaphore_mem>>)
      %add3A_282 = arith.constant 0 : i32
      %add3A_283 = arith.addi %mul3A_163, %add3A_282 : i32
      %mul3A_284 = arith.constant 128 : i32
      %mul3A_285 = arith.muli %add3A_283, %mul3A_284 : i32
      %dma_wait3A_286 = arith.constant 0 : i32
      %dma_wait3A_287 = arith.constant 0 : i32
      %dma_wait3A_288 = arith.constant 0 : i32
      %dma_wait3A_289 = tpu.memref_slice %arg6[%dma_wait3A_286, %dma_wait3A_287, %dma_wait3A_288] : memref<8x128x64xf32, #tpu.memory_space<vmem>> -> memref<1x128x64xf32, #tpu.memory_space<vmem>>
      %dma_wait3A_290 = tpu.memref_squeeze %dma_wait3A_289 : memref<1x128x64xf32, #tpu.memory_space<vmem>> -> memref<128x64xf32, #tpu.memory_space<vmem>>
      %dma_wait3A_291 = tpu.memref_slice %arg5[%mul3A_285] : memref<25600xi32, #tpu.memory_space<vmem>> -> memref<128xi32, #tpu.memory_space<vmem>>
      %dma_wait3A_292 = arith.constant 0 : i32
      %dma_wait3A_293 = arith.constant 0 : i32
      %dma_wait3A_294 = tpu.memref_slice %arg2[%dma_wait3A_292, %dma_wait3A_293] : memref<2000000x64xf32, #tpu.memory_space<hbm>> -> memref<2000000x64xf32, #tpu.memory_space<hbm>>
      tpu.wait_indirect_dma semaphore(%arg7 : memref<!tpu.dma_semaphore, #tpu.memory_space<semaphore_mem>>) src(%dma_wait3A_294 : memref<2000000x64xf32, #tpu.memory_space<hbm>>) dst(%dma_wait3A_290 : memref<128x64xf32, #tpu.memory_space<vmem>>)
      %add3A_295 = arith.constant 1 : i32
      %add3A_296 = arith.addi %mul3A_163, %add3A_295 : i32
      %mul3A_297 = arith.constant 128 : i32
      %mul3A_298 = arith.muli %add3A_296, %mul3A_297 : i32
      %dma_wait3A_299 = arith.constant 1 : i32
      %dma_wait3A_300 = arith.constant 0 : i32
      %dma_wait3A_301 = arith.constant 0 : i32
      %dma_wait3A_302 = tpu.memref_slice %arg6[%dma_wait3A_299, %dma_wait3A_300, %dma_wait3A_301] : memref<8x128x64xf32, #tpu.memory_space<vmem>> -> memref<1x128x64xf32, #tpu.memory_space<vmem>>
      %dma_wait3A_303 = tpu.memref_squeeze %dma_wait3A_302 : memref<1x128x64xf32, #tpu.memory_space<vmem>> -> memref<128x64xf32, #tpu.memory_space<vmem>>
      %dma_wait3A_304 = tpu.memref_slice %arg5[%mul3A_298] : memref<25600xi32, #tpu.memory_space<vmem>> -> memref<128xi32, #tpu.memory_space<vmem>>
      %dma_wait3A_305 = arith.constant 0 : i32
      %dma_wait3A_306 = arith.constant 0 : i32
      %dma_wait3A_307 = tpu.memref_slice %arg2[%dma_wait3A_305, %dma_wait3A_306] : memref<2000000x64xf32, #tpu.memory_space<hbm>> -> memref<2000000x64xf32, #tpu.memory_space<hbm>>
      tpu.wait_indirect_dma semaphore(%arg7 : memref<!tpu.dma_semaphore, #tpu.memory_space<semaphore_mem>>) src(%dma_wait3A_307 : memref<2000000x64xf32, #tpu.memory_space<hbm>>) dst(%dma_wait3A_303 : memref<128x64xf32, #tpu.memory_space<vmem>>)
      %add3A_308 = arith.constant 2 : i32
      %add3A_309 = arith.addi %mul3A_163, %add3A_308 : i32
      %mul3A_310 = arith.constant 128 : i32
      %mul3A_311 = arith.muli %add3A_309, %mul3A_310 : i32
      %dma_wait3A_312 = arith.constant 2 : i32
      %dma_wait3A_313 = arith.constant 0 : i32
      %dma_wait3A_314 = arith.constant 0 : i32
      %dma_wait3A_315 = tpu.memref_slice %arg6[%dma_wait3A_312, %dma_wait3A_313, %dma_wait3A_314] : memref<8x128x64xf32, #tpu.memory_space<vmem>> -> memref<1x128x64xf32, #tpu.memory_space<vmem>>
      %dma_wait3A_316 = tpu.memref_squeeze %dma_wait3A_315 : memref<1x128x64xf32, #tpu.memory_space<vmem>> -> memref<128x64xf32, #tpu.memory_space<vmem>>
      %dma_wait3A_317 = tpu.memref_slice %arg5[%mul3A_311] : memref<25600xi32, #tpu.memory_space<vmem>> -> memref<128xi32, #tpu.memory_space<vmem>>
      %dma_wait3A_318 = arith.constant 0 : i32
      %dma_wait3A_319 = arith.constant 0 : i32
      %dma_wait3A_320 = tpu.memref_slice %arg2[%dma_wait3A_318, %dma_wait3A_319] : memref<2000000x64xf32, #tpu.memory_space<hbm>> -> memref<2000000x64xf32, #tpu.memory_space<hbm>>
      tpu.wait_indirect_dma semaphore(%arg7 : memref<!tpu.dma_semaphore, #tpu.memory_space<semaphore_mem>>) src(%dma_wait3A_320 : memref<2000000x64xf32, #tpu.memory_space<hbm>>) dst(%dma_wait3A_316 : memref<128x64xf32, #tpu.memory_space<vmem>>)
      %add3A_321 = arith.constant 3 : i32
      %add3A_322 = arith.addi %mul3A_163, %add3A_321 : i32
      %mul3A_323 = arith.constant 128 : i32
      %mul3A_324 = arith.muli %add3A_322, %mul3A_323 : i32
      %dma_wait3A_325 = arith.constant 3 : i32
      %dma_wait3A_326 = arith.constant 0 : i32
      %dma_wait3A_327 = arith.constant 0 : i32
      %dma_wait3A_328 = tpu.memref_slice %arg6[%dma_wait3A_325, %dma_wait3A_326, %dma_wait3A_327] : memref<8x128x64xf32, #tpu.memory_space<vmem>> -> memref<1x128x64xf32, #tpu.memory_space<vmem>>
      %dma_wait3A_329 = tpu.memref_squeeze %dma_wait3A_328 : memref<1x128x64xf32, #tpu.memory_space<vmem>> -> memref<128x64xf32, #tpu.memory_space<vmem>>
      %dma_wait3A_330 = tpu.memref_slice %arg5[%mul3A_324] : memref<25600xi32, #tpu.memory_space<vmem>> -> memref<128xi32, #tpu.memory_space<vmem>>
      %dma_wait3A_331 = arith.constant 0 : i32
      %dma_wait3A_332 = arith.constant 0 : i32
      %dma_wait3A_333 = tpu.memref_slice %arg2[%dma_wait3A_331, %dma_wait3A_332] : memref<2000000x64xf32, #tpu.memory_space<hbm>> -> memref<2000000x64xf32, #tpu.memory_space<hbm>>
      tpu.wait_indirect_dma semaphore(%arg7 : memref<!tpu.dma_semaphore, #tpu.memory_space<semaphore_mem>>) src(%dma_wait3A_333 : memref<2000000x64xf32, #tpu.memory_space<hbm>>) dst(%dma_wait3A_329 : memref<128x64xf32, #tpu.memory_space<vmem>>)
      %add3A_334 = arith.constant 0 : i32
      %add3A_335 = arith.addi %mul3A_163, %add3A_334 : i32
      %mul3A_336 = arith.constant 200 : i32
      %mul3A_337 = arith.muli %add3A, %mul3A_336 : i32
      %add3A_338 = arith.addi %mul3A_337, %add3A_335 : i32
      %mul3A_339 = arith.constant 128 : i32
      %mul3A_340 = arith.muli %add3A_338, %mul3A_339 : i32
      %dma_start3A_341 = arith.constant 0 : i32
      %dma_start3A_342 = arith.constant 0 : i32
      %dma_start3A_343 = arith.constant 0 : i32
      %dma_start3A_344 = tpu.memref_slice %arg6[%dma_start3A_341, %dma_start3A_342, %dma_start3A_343] : memref<8x128x64xf32, #tpu.memory_space<vmem>> -> memref<1x128x64xf32, #tpu.memory_space<vmem>>
      %dma_start3A_345 = tpu.memref_squeeze %dma_start3A_344 : memref<1x128x64xf32, #tpu.memory_space<vmem>> -> memref<128x64xf32, #tpu.memory_space<vmem>>
      %dma_start3A_346 = arith.constant 0 : i32
      %dma_start3A_347 = tpu.memref_slice %arg4[%mul3A_340, %dma_start3A_346] : memref<819200x64xf32, #tpu.memory_space<hbm>> -> memref<128x64xf32, #tpu.memory_space<hbm>>
      %dma_start3A_348 = arith.constant 0 : i32
      %dma_start3A_349 = tpu.memref_slice %arg4[%mul3A_340, %dma_start3A_348] : memref<819200x64xf32, #tpu.memory_space<hbm>> -> memref<128x64xf32, #tpu.memory_space<hbm>>
      %dma_start3A_350 = arith.constant 0 : i32
      %dma_start3A_351 = arith.constant 0 : i32
      %dma_start3A_352 = tpu.memref_slice %arg6[%dma_start3A_341, %dma_start3A_350, %dma_start3A_351] : memref<8x128x64xf32, #tpu.memory_space<vmem>> -> memref<1x128x64xf32, #tpu.memory_space<vmem>>
      %dma_start3A_353 = tpu.memref_squeeze %dma_start3A_352 : memref<1x128x64xf32, #tpu.memory_space<vmem>> -> memref<128x64xf32, #tpu.memory_space<vmem>>
      tpu.enqueue_dma source(%dma_start3A_353 : memref<128x64xf32, #tpu.memory_space<vmem>>) target(%dma_start3A_349 : memref<128x64xf32, #tpu.memory_space<hbm>>) target_semaphore(%arg9 : memref<!tpu.dma_semaphore, #tpu.memory_space<semaphore_mem>>)
      %add3A_354 = arith.constant 1 : i32
      %add3A_355 = arith.addi %mul3A_163, %add3A_354 : i32
      %mul3A_356 = arith.constant 200 : i32
      %mul3A_357 = arith.muli %add3A, %mul3A_356 : i32
      %add3A_358 = arith.addi %mul3A_357, %add3A_355 : i32
      %mul3A_359 = arith.constant 128 : i32
      %mul3A_360 = arith.muli %add3A_358, %mul3A_359 : i32
      %dma_start3A_361 = arith.constant 1 : i32
      %dma_start3A_362 = arith.constant 0 : i32
      %dma_start3A_363 = arith.constant 0 : i32
      %dma_start3A_364 = tpu.memref_slice %arg6[%dma_start3A_361, %dma_start3A_362, %dma_start3A_363] : memref<8x128x64xf32, #tpu.memory_space<vmem>> -> memref<1x128x64xf32, #tpu.memory_space<vmem>>
      %dma_start3A_365 = tpu.memref_squeeze %dma_start3A_364 : memref<1x128x64xf32, #tpu.memory_space<vmem>> -> memref<128x64xf32, #tpu.memory_space<vmem>>
      %dma_start3A_366 = arith.constant 0 : i32
      %dma_start3A_367 = tpu.memref_slice %arg4[%mul3A_360, %dma_start3A_366] : memref<819200x64xf32, #tpu.memory_space<hbm>> -> memref<128x64xf32, #tpu.memory_space<hbm>>
      %dma_start3A_368 = arith.constant 0 : i32
      %dma_start3A_369 = tpu.memref_slice %arg4[%mul3A_360, %dma_start3A_368] : memref<819200x64xf32, #tpu.memory_space<hbm>> -> memref<128x64xf32, #tpu.memory_space<hbm>>
      %dma_start3A_370 = arith.constant 0 : i32
      %dma_start3A_371 = arith.constant 0 : i32
      %dma_start3A_372 = tpu.memref_slice %arg6[%dma_start3A_361, %dma_start3A_370, %dma_start3A_371] : memref<8x128x64xf32, #tpu.memory_space<vmem>> -> memref<1x128x64xf32, #tpu.memory_space<vmem>>
      %dma_start3A_373 = tpu.memref_squeeze %dma_start3A_372 : memref<1x128x64xf32, #tpu.memory_space<vmem>> -> memref<128x64xf32, #tpu.memory_space<vmem>>
      tpu.enqueue_dma source(%dma_start3A_373 : memref<128x64xf32, #tpu.memory_space<vmem>>) target(%dma_start3A_369 : memref<128x64xf32, #tpu.memory_space<hbm>>) target_semaphore(%arg9 : memref<!tpu.dma_semaphore, #tpu.memory_space<semaphore_mem>>)
      %add3A_374 = arith.constant 2 : i32
      %add3A_375 = arith.addi %mul3A_163, %add3A_374 : i32
      %mul3A_376 = arith.constant 200 : i32
      %mul3A_377 = arith.muli %add3A, %mul3A_376 : i32
      %add3A_378 = arith.addi %mul3A_377, %add3A_375 : i32
      %mul3A_379 = arith.constant 128 : i32
      %mul3A_380 = arith.muli %add3A_378, %mul3A_379 : i32
      %dma_start3A_381 = arith.constant 2 : i32
      %dma_start3A_382 = arith.constant 0 : i32
      %dma_start3A_383 = arith.constant 0 : i32
      %dma_start3A_384 = tpu.memref_slice %arg6[%dma_start3A_381, %dma_start3A_382, %dma_start3A_383] : memref<8x128x64xf32, #tpu.memory_space<vmem>> -> memref<1x128x64xf32, #tpu.memory_space<vmem>>
      %dma_start3A_385 = tpu.memref_squeeze %dma_start3A_384 : memref<1x128x64xf32, #tpu.memory_space<vmem>> -> memref<128x64xf32, #tpu.memory_space<vmem>>
      %dma_start3A_386 = arith.constant 0 : i32
      %dma_start3A_387 = tpu.memref_slice %arg4[%mul3A_380, %dma_start3A_386] : memref<819200x64xf32, #tpu.memory_space<hbm>> -> memref<128x64xf32, #tpu.memory_space<hbm>>
      %dma_start3A_388 = arith.constant 0 : i32
      %dma_start3A_389 = tpu.memref_slice %arg4[%mul3A_380, %dma_start3A_388] : memref<819200x64xf32, #tpu.memory_space<hbm>> -> memref<128x64xf32, #tpu.memory_space<hbm>>
      %dma_start3A_390 = arith.constant 0 : i32
      %dma_start3A_391 = arith.constant 0 : i32
      %dma_start3A_392 = tpu.memref_slice %arg6[%dma_start3A_381, %dma_start3A_390, %dma_start3A_391] : memref<8x128x64xf32, #tpu.memory_space<vmem>> -> memref<1x128x64xf32, #tpu.memory_space<vmem>>
      %dma_start3A_393 = tpu.memref_squeeze %dma_start3A_392 : memref<1x128x64xf32, #tpu.memory_space<vmem>> -> memref<128x64xf32, #tpu.memory_space<vmem>>
      tpu.enqueue_dma source(%dma_start3A_393 : memref<128x64xf32, #tpu.memory_space<vmem>>) target(%dma_start3A_389 : memref<128x64xf32, #tpu.memory_space<hbm>>) target_semaphore(%arg9 : memref<!tpu.dma_semaphore, #tpu.memory_space<semaphore_mem>>)
      %add3A_394 = arith.constant 3 : i32
      %add3A_395 = arith.addi %mul3A_163, %add3A_394 : i32
      %mul3A_396 = arith.constant 200 : i32
      %mul3A_397 = arith.muli %add3A, %mul3A_396 : i32
      %add3A_398 = arith.addi %mul3A_397, %add3A_395 : i32
      %mul3A_399 = arith.constant 128 : i32
      %mul3A_400 = arith.muli %add3A_398, %mul3A_399 : i32
      %dma_start3A_401 = arith.constant 3 : i32
      %dma_start3A_402 = arith.constant 0 : i32
      %dma_start3A_403 = arith.constant 0 : i32
      %dma_start3A_404 = tpu.memref_slice %arg6[%dma_start3A_401, %dma_start3A_402, %dma_start3A_403] : memref<8x128x64xf32, #tpu.memory_space<vmem>> -> memref<1x128x64xf32, #tpu.memory_space<vmem>>
      %dma_start3A_405 = tpu.memref_squeeze %dma_start3A_404 : memref<1x128x64xf32, #tpu.memory_space<vmem>> -> memref<128x64xf32, #tpu.memory_space<vmem>>
      %dma_start3A_406 = arith.constant 0 : i32
      %dma_start3A_407 = tpu.memref_slice %arg4[%mul3A_400, %dma_start3A_406] : memref<819200x64xf32, #tpu.memory_space<hbm>> -> memref<128x64xf32, #tpu.memory_space<hbm>>
      %dma_start3A_408 = arith.constant 0 : i32
      %dma_start3A_409 = tpu.memref_slice %arg4[%mul3A_400, %dma_start3A_408] : memref<819200x64xf32, #tpu.memory_space<hbm>> -> memref<128x64xf32, #tpu.memory_space<hbm>>
      %dma_start3A_410 = arith.constant 0 : i32
      %dma_start3A_411 = arith.constant 0 : i32
      %dma_start3A_412 = tpu.memref_slice %arg6[%dma_start3A_401, %dma_start3A_410, %dma_start3A_411] : memref<8x128x64xf32, #tpu.memory_space<vmem>> -> memref<1x128x64xf32, #tpu.memory_space<vmem>>
      %dma_start3A_413 = tpu.memref_squeeze %dma_start3A_412 : memref<1x128x64xf32, #tpu.memory_space<vmem>> -> memref<128x64xf32, #tpu.memory_space<vmem>>
      tpu.enqueue_dma source(%dma_start3A_413 : memref<128x64xf32, #tpu.memory_space<vmem>>) target(%dma_start3A_409 : memref<128x64xf32, #tpu.memory_space<hbm>>) target_semaphore(%arg9 : memref<!tpu.dma_semaphore, #tpu.memory_space<semaphore_mem>>)
      %add3A_414 = arith.constant 4 : i32
      %add3A_415 = arith.addi %mul3A_163, %add3A_414 : i32
      %add3A_416 = arith.constant 0 : i32
      %add3A_417 = arith.addi %add3A_415, %add3A_416 : i32
      %mul3A_418 = arith.constant 128 : i32
      %mul3A_419 = arith.muli %add3A_417, %mul3A_418 : i32
      %dma_wait3A_420 = arith.constant 4 : i32
      %dma_wait3A_421 = arith.constant 0 : i32
      %dma_wait3A_422 = arith.constant 0 : i32
      %dma_wait3A_423 = tpu.memref_slice %arg6[%dma_wait3A_420, %dma_wait3A_421, %dma_wait3A_422] : memref<8x128x64xf32, #tpu.memory_space<vmem>> -> memref<1x128x64xf32, #tpu.memory_space<vmem>>
      %dma_wait3A_424 = tpu.memref_squeeze %dma_wait3A_423 : memref<1x128x64xf32, #tpu.memory_space<vmem>> -> memref<128x64xf32, #tpu.memory_space<vmem>>
      %dma_wait3A_425 = tpu.memref_slice %arg5[%mul3A_419] : memref<25600xi32, #tpu.memory_space<vmem>> -> memref<128xi32, #tpu.memory_space<vmem>>
      %dma_wait3A_426 = arith.constant 0 : i32
      %dma_wait3A_427 = arith.constant 0 : i32
      %dma_wait3A_428 = tpu.memref_slice %arg2[%dma_wait3A_426, %dma_wait3A_427] : memref<2000000x64xf32, #tpu.memory_space<hbm>> -> memref<2000000x64xf32, #tpu.memory_space<hbm>>
      tpu.wait_indirect_dma semaphore(%arg8 : memref<!tpu.dma_semaphore, #tpu.memory_space<semaphore_mem>>) src(%dma_wait3A_428 : memref<2000000x64xf32, #tpu.memory_space<hbm>>) dst(%dma_wait3A_424 : memref<128x64xf32, #tpu.memory_space<vmem>>)
      %add3A_429 = arith.constant 4 : i32
      %add3A_430 = arith.addi %mul3A_163, %add3A_429 : i32
      %add3A_431 = arith.constant 1 : i32
      %add3A_432 = arith.addi %add3A_430, %add3A_431 : i32
      %mul3A_433 = arith.constant 128 : i32
      %mul3A_434 = arith.muli %add3A_432, %mul3A_433 : i32
      %dma_wait3A_435 = arith.constant 5 : i32
      %dma_wait3A_436 = arith.constant 0 : i32
      %dma_wait3A_437 = arith.constant 0 : i32
      %dma_wait3A_438 = tpu.memref_slice %arg6[%dma_wait3A_435, %dma_wait3A_436, %dma_wait3A_437] : memref<8x128x64xf32, #tpu.memory_space<vmem>> -> memref<1x128x64xf32, #tpu.memory_space<vmem>>
      %dma_wait3A_439 = tpu.memref_squeeze %dma_wait3A_438 : memref<1x128x64xf32, #tpu.memory_space<vmem>> -> memref<128x64xf32, #tpu.memory_space<vmem>>
      %dma_wait3A_440 = tpu.memref_slice %arg5[%mul3A_434] : memref<25600xi32, #tpu.memory_space<vmem>> -> memref<128xi32, #tpu.memory_space<vmem>>
      %dma_wait3A_441 = arith.constant 0 : i32
      %dma_wait3A_442 = arith.constant 0 : i32
      %dma_wait3A_443 = tpu.memref_slice %arg2[%dma_wait3A_441, %dma_wait3A_442] : memref<2000000x64xf32, #tpu.memory_space<hbm>> -> memref<2000000x64xf32, #tpu.memory_space<hbm>>
      tpu.wait_indirect_dma semaphore(%arg8 : memref<!tpu.dma_semaphore, #tpu.memory_space<semaphore_mem>>) src(%dma_wait3A_443 : memref<2000000x64xf32, #tpu.memory_space<hbm>>) dst(%dma_wait3A_439 : memref<128x64xf32, #tpu.memory_space<vmem>>)
      %add3A_444 = arith.constant 4 : i32
      %add3A_445 = arith.addi %mul3A_163, %add3A_444 : i32
      %add3A_446 = arith.constant 2 : i32
      %add3A_447 = arith.addi %add3A_445, %add3A_446 : i32
      %mul3A_448 = arith.constant 128 : i32
      %mul3A_449 = arith.muli %add3A_447, %mul3A_448 : i32
      %dma_wait3A_450 = arith.constant 6 : i32
      %dma_wait3A_451 = arith.constant 0 : i32
      %dma_wait3A_452 = arith.constant 0 : i32
      %dma_wait3A_453 = tpu.memref_slice %arg6[%dma_wait3A_450, %dma_wait3A_451, %dma_wait3A_452] : memref<8x128x64xf32, #tpu.memory_space<vmem>> -> memref<1x128x64xf32, #tpu.memory_space<vmem>>
      %dma_wait3A_454 = tpu.memref_squeeze %dma_wait3A_453 : memref<1x128x64xf32, #tpu.memory_space<vmem>> -> memref<128x64xf32, #tpu.memory_space<vmem>>
      %dma_wait3A_455 = tpu.memref_slice %arg5[%mul3A_449] : memref<25600xi32, #tpu.memory_space<vmem>> -> memref<128xi32, #tpu.memory_space<vmem>>
      %dma_wait3A_456 = arith.constant 0 : i32
      %dma_wait3A_457 = arith.constant 0 : i32
      %dma_wait3A_458 = tpu.memref_slice %arg2[%dma_wait3A_456, %dma_wait3A_457] : memref<2000000x64xf32, #tpu.memory_space<hbm>> -> memref<2000000x64xf32, #tpu.memory_space<hbm>>
      tpu.wait_indirect_dma semaphore(%arg8 : memref<!tpu.dma_semaphore, #tpu.memory_space<semaphore_mem>>) src(%dma_wait3A_458 : memref<2000000x64xf32, #tpu.memory_space<hbm>>) dst(%dma_wait3A_454 : memref<128x64xf32, #tpu.memory_space<vmem>>)
      %add3A_459 = arith.constant 4 : i32
      %add3A_460 = arith.addi %mul3A_163, %add3A_459 : i32
      %add3A_461 = arith.constant 3 : i32
      %add3A_462 = arith.addi %add3A_460, %add3A_461 : i32
      %mul3A_463 = arith.constant 128 : i32
      %mul3A_464 = arith.muli %add3A_462, %mul3A_463 : i32
      %dma_wait3A_465 = arith.constant 7 : i32
      %dma_wait3A_466 = arith.constant 0 : i32
      %dma_wait3A_467 = arith.constant 0 : i32
      %dma_wait3A_468 = tpu.memref_slice %arg6[%dma_wait3A_465, %dma_wait3A_466, %dma_wait3A_467] : memref<8x128x64xf32, #tpu.memory_space<vmem>> -> memref<1x128x64xf32, #tpu.memory_space<vmem>>
      %dma_wait3A_469 = tpu.memref_squeeze %dma_wait3A_468 : memref<1x128x64xf32, #tpu.memory_space<vmem>> -> memref<128x64xf32, #tpu.memory_space<vmem>>
      %dma_wait3A_470 = tpu.memref_slice %arg5[%mul3A_464] : memref<25600xi32, #tpu.memory_space<vmem>> -> memref<128xi32, #tpu.memory_space<vmem>>
      %dma_wait3A_471 = arith.constant 0 : i32
      %dma_wait3A_472 = arith.constant 0 : i32
      %dma_wait3A_473 = tpu.memref_slice %arg2[%dma_wait3A_471, %dma_wait3A_472] : memref<2000000x64xf32, #tpu.memory_space<hbm>> -> memref<2000000x64xf32, #tpu.memory_space<hbm>>
      tpu.wait_indirect_dma semaphore(%arg8 : memref<!tpu.dma_semaphore, #tpu.memory_space<semaphore_mem>>) src(%dma_wait3A_473 : memref<2000000x64xf32, #tpu.memory_space<hbm>>) dst(%dma_wait3A_469 : memref<128x64xf32, #tpu.memory_space<vmem>>)
      %add3A_474 = arith.constant 4 : i32
      %add3A_475 = arith.addi %mul3A_163, %add3A_474 : i32
      %add3A_476 = arith.constant 0 : i32
      %add3A_477 = arith.addi %add3A_475, %add3A_476 : i32
      %mul3A_478 = arith.constant 200 : i32
      %mul3A_479 = arith.muli %add3A, %mul3A_478 : i32
      %add3A_480 = arith.addi %mul3A_479, %add3A_477 : i32
      %mul3A_481 = arith.constant 128 : i32
      %mul3A_482 = arith.muli %add3A_480, %mul3A_481 : i32
      %dma_start3A_483 = arith.constant 4 : i32
      %dma_start3A_484 = arith.constant 0 : i32
      %dma_start3A_485 = arith.constant 0 : i32
      %dma_start3A_486 = tpu.memref_slice %arg6[%dma_start3A_483, %dma_start3A_484, %dma_start3A_485] : memref<8x128x64xf32, #tpu.memory_space<vmem>> -> memref<1x128x64xf32, #tpu.memory_space<vmem>>
      %dma_start3A_487 = tpu.memref_squeeze %dma_start3A_486 : memref<1x128x64xf32, #tpu.memory_space<vmem>> -> memref<128x64xf32, #tpu.memory_space<vmem>>
      %dma_start3A_488 = arith.constant 0 : i32
      %dma_start3A_489 = tpu.memref_slice %arg4[%mul3A_482, %dma_start3A_488] : memref<819200x64xf32, #tpu.memory_space<hbm>> -> memref<128x64xf32, #tpu.memory_space<hbm>>
      %dma_start3A_490 = arith.constant 0 : i32
      %dma_start3A_491 = tpu.memref_slice %arg4[%mul3A_482, %dma_start3A_490] : memref<819200x64xf32, #tpu.memory_space<hbm>> -> memref<128x64xf32, #tpu.memory_space<hbm>>
      %dma_start3A_492 = arith.constant 0 : i32
      %dma_start3A_493 = arith.constant 0 : i32
      %dma_start3A_494 = tpu.memref_slice %arg6[%dma_start3A_483, %dma_start3A_492, %dma_start3A_493] : memref<8x128x64xf32, #tpu.memory_space<vmem>> -> memref<1x128x64xf32, #tpu.memory_space<vmem>>
      %dma_start3A_495 = tpu.memref_squeeze %dma_start3A_494 : memref<1x128x64xf32, #tpu.memory_space<vmem>> -> memref<128x64xf32, #tpu.memory_space<vmem>>
      tpu.enqueue_dma source(%dma_start3A_495 : memref<128x64xf32, #tpu.memory_space<vmem>>) target(%dma_start3A_491 : memref<128x64xf32, #tpu.memory_space<hbm>>) target_semaphore(%arg10 : memref<!tpu.dma_semaphore, #tpu.memory_space<semaphore_mem>>)
      %add3A_496 = arith.constant 4 : i32
      %add3A_497 = arith.addi %mul3A_163, %add3A_496 : i32
      %add3A_498 = arith.constant 1 : i32
      %add3A_499 = arith.addi %add3A_497, %add3A_498 : i32
      %mul3A_500 = arith.constant 200 : i32
      %mul3A_501 = arith.muli %add3A, %mul3A_500 : i32
      %add3A_502 = arith.addi %mul3A_501, %add3A_499 : i32
      %mul3A_503 = arith.constant 128 : i32
      %mul3A_504 = arith.muli %add3A_502, %mul3A_503 : i32
      %dma_start3A_505 = arith.constant 5 : i32
      %dma_start3A_506 = arith.constant 0 : i32
      %dma_start3A_507 = arith.constant 0 : i32
      %dma_start3A_508 = tpu.memref_slice %arg6[%dma_start3A_505, %dma_start3A_506, %dma_start3A_507] : memref<8x128x64xf32, #tpu.memory_space<vmem>> -> memref<1x128x64xf32, #tpu.memory_space<vmem>>
      %dma_start3A_509 = tpu.memref_squeeze %dma_start3A_508 : memref<1x128x64xf32, #tpu.memory_space<vmem>> -> memref<128x64xf32, #tpu.memory_space<vmem>>
      %dma_start3A_510 = arith.constant 0 : i32
      %dma_start3A_511 = tpu.memref_slice %arg4[%mul3A_504, %dma_start3A_510] : memref<819200x64xf32, #tpu.memory_space<hbm>> -> memref<128x64xf32, #tpu.memory_space<hbm>>
      %dma_start3A_512 = arith.constant 0 : i32
      %dma_start3A_513 = tpu.memref_slice %arg4[%mul3A_504, %dma_start3A_512] : memref<819200x64xf32, #tpu.memory_space<hbm>> -> memref<128x64xf32, #tpu.memory_space<hbm>>
      %dma_start3A_514 = arith.constant 0 : i32
      %dma_start3A_515 = arith.constant 0 : i32
      %dma_start3A_516 = tpu.memref_slice %arg6[%dma_start3A_505, %dma_start3A_514, %dma_start3A_515] : memref<8x128x64xf32, #tpu.memory_space<vmem>> -> memref<1x128x64xf32, #tpu.memory_space<vmem>>
      %dma_start3A_517 = tpu.memref_squeeze %dma_start3A_516 : memref<1x128x64xf32, #tpu.memory_space<vmem>> -> memref<128x64xf32, #tpu.memory_space<vmem>>
      tpu.enqueue_dma source(%dma_start3A_517 : memref<128x64xf32, #tpu.memory_space<vmem>>) target(%dma_start3A_513 : memref<128x64xf32, #tpu.memory_space<hbm>>) target_semaphore(%arg10 : memref<!tpu.dma_semaphore, #tpu.memory_space<semaphore_mem>>)
      %add3A_518 = arith.constant 4 : i32
      %add3A_519 = arith.addi %mul3A_163, %add3A_518 : i32
      %add3A_520 = arith.constant 2 : i32
      %add3A_521 = arith.addi %add3A_519, %add3A_520 : i32
      %mul3A_522 = arith.constant 200 : i32
      %mul3A_523 = arith.muli %add3A, %mul3A_522 : i32
      %add3A_524 = arith.addi %mul3A_523, %add3A_521 : i32
      %mul3A_525 = arith.constant 128 : i32
      %mul3A_526 = arith.muli %add3A_524, %mul3A_525 : i32
      %dma_start3A_527 = arith.constant 6 : i32
      %dma_start3A_528 = arith.constant 0 : i32
      %dma_start3A_529 = arith.constant 0 : i32
      %dma_start3A_530 = tpu.memref_slice %arg6[%dma_start3A_527, %dma_start3A_528, %dma_start3A_529] : memref<8x128x64xf32, #tpu.memory_space<vmem>> -> memref<1x128x64xf32, #tpu.memory_space<vmem>>
      %dma_start3A_531 = tpu.memref_squeeze %dma_start3A_530 : memref<1x128x64xf32, #tpu.memory_space<vmem>> -> memref<128x64xf32, #tpu.memory_space<vmem>>
      %dma_start3A_532 = arith.constant 0 : i32
      %dma_start3A_533 = tpu.memref_slice %arg4[%mul3A_526, %dma_start3A_532] : memref<819200x64xf32, #tpu.memory_space<hbm>> -> memref<128x64xf32, #tpu.memory_space<hbm>>
      %dma_start3A_534 = arith.constant 0 : i32
      %dma_start3A_535 = tpu.memref_slice %arg4[%mul3A_526, %dma_start3A_534] : memref<819200x64xf32, #tpu.memory_space<hbm>> -> memref<128x64xf32, #tpu.memory_space<hbm>>
      %dma_start3A_536 = arith.constant 0 : i32
      %dma_start3A_537 = arith.constant 0 : i32
      %dma_start3A_538 = tpu.memref_slice %arg6[%dma_start3A_527, %dma_start3A_536, %dma_start3A_537] : memref<8x128x64xf32, #tpu.memory_space<vmem>> -> memref<1x128x64xf32, #tpu.memory_space<vmem>>
      %dma_start3A_539 = tpu.memref_squeeze %dma_start3A_538 : memref<1x128x64xf32, #tpu.memory_space<vmem>> -> memref<128x64xf32, #tpu.memory_space<vmem>>
      tpu.enqueue_dma source(%dma_start3A_539 : memref<128x64xf32, #tpu.memory_space<vmem>>) target(%dma_start3A_535 : memref<128x64xf32, #tpu.memory_space<hbm>>) target_semaphore(%arg10 : memref<!tpu.dma_semaphore, #tpu.memory_space<semaphore_mem>>)
      %add3A_540 = arith.constant 4 : i32
      %add3A_541 = arith.addi %mul3A_163, %add3A_540 : i32
      %add3A_542 = arith.constant 3 : i32
      %add3A_543 = arith.addi %add3A_541, %add3A_542 : i32
      %mul3A_544 = arith.constant 200 : i32
      %mul3A_545 = arith.muli %add3A, %mul3A_544 : i32
      %add3A_546 = arith.addi %mul3A_545, %add3A_543 : i32
      %mul3A_547 = arith.constant 128 : i32
      %mul3A_548 = arith.muli %add3A_546, %mul3A_547 : i32
      %dma_start3A_549 = arith.constant 7 : i32
      %dma_start3A_550 = arith.constant 0 : i32
      %dma_start3A_551 = arith.constant 0 : i32
      %dma_start3A_552 = tpu.memref_slice %arg6[%dma_start3A_549, %dma_start3A_550, %dma_start3A_551] : memref<8x128x64xf32, #tpu.memory_space<vmem>> -> memref<1x128x64xf32, #tpu.memory_space<vmem>>
      %dma_start3A_553 = tpu.memref_squeeze %dma_start3A_552 : memref<1x128x64xf32, #tpu.memory_space<vmem>> -> memref<128x64xf32, #tpu.memory_space<vmem>>
      %dma_start3A_554 = arith.constant 0 : i32
      %dma_start3A_555 = tpu.memref_slice %arg4[%mul3A_548, %dma_start3A_554] : memref<819200x64xf32, #tpu.memory_space<hbm>> -> memref<128x64xf32, #tpu.memory_space<hbm>>
      %dma_start3A_556 = arith.constant 0 : i32
      %dma_start3A_557 = tpu.memref_slice %arg4[%mul3A_548, %dma_start3A_556] : memref<819200x64xf32, #tpu.memory_space<hbm>> -> memref<128x64xf32, #tpu.memory_space<hbm>>
      %dma_start3A_558 = arith.constant 0 : i32
      %dma_start3A_559 = arith.constant 0 : i32
      %dma_start3A_560 = tpu.memref_slice %arg6[%dma_start3A_549, %dma_start3A_558, %dma_start3A_559] : memref<8x128x64xf32, #tpu.memory_space<vmem>> -> memref<1x128x64xf32, #tpu.memory_space<vmem>>
      %dma_start3A_561 = tpu.memref_squeeze %dma_start3A_560 : memref<1x128x64xf32, #tpu.memory_space<vmem>> -> memref<128x64xf32, #tpu.memory_space<vmem>>
      tpu.enqueue_dma source(%dma_start3A_561 : memref<128x64xf32, #tpu.memory_space<vmem>>) target(%dma_start3A_557 : memref<128x64xf32, #tpu.memory_space<hbm>>) target_semaphore(%arg10 : memref<!tpu.dma_semaphore, #tpu.memory_space<semaphore_mem>>)
    }
    %scan3A_7 = arith.constant 25 : i32
    %mul3A_8 = arith.constant 200 : i32
    %mul3A_9 = arith.muli %add3A, %mul3A_8 : i32
    %add3A_10 = arith.constant 192 : i32
    %add3A_11 = arith.addi %mul3A_9, %add3A_10 : i32
    %mul3A_12 = arith.constant 128 : i32
    %mul3A_13 = arith.muli %add3A_11, %mul3A_12 : i32
    %dma_wait3A = arith.constant 0 : i32
    %dma_wait3A_14 = arith.constant 0 : i32
    %dma_wait3A_15 = arith.constant 0 : i32
    %dma_wait3A_16 = tpu.memref_slice %arg6[%dma_wait3A, %dma_wait3A_14, %dma_wait3A_15] : memref<8x128x64xf32, #tpu.memory_space<vmem>> -> memref<1x128x64xf32, #tpu.memory_space<vmem>>
    %dma_wait3A_17 = tpu.memref_squeeze %dma_wait3A_16 : memref<1x128x64xf32, #tpu.memory_space<vmem>> -> memref<128x64xf32, #tpu.memory_space<vmem>>
    %dma_wait3A_18 = arith.constant 0 : i32
    %dma_wait3A_19 = tpu.memref_slice %arg4[%mul3A_13, %dma_wait3A_18] : memref<819200x64xf32, #tpu.memory_space<hbm>> -> memref<128x64xf32, #tpu.memory_space<hbm>>
    %dma_wait3A_20 = arith.constant 0 : i32
    %dma_wait3A_21 = tpu.memref_slice %arg4[%mul3A_13, %dma_wait3A_20] : memref<819200x64xf32, #tpu.memory_space<hbm>> -> memref<128x64xf32, #tpu.memory_space<hbm>>
    %dma_wait3A_22 = arith.constant 0 : i32
    %dma_wait3A_23 = arith.constant 0 : i32
    %dma_wait3A_24 = tpu.memref_slice %arg6[%dma_wait3A, %dma_wait3A_22, %dma_wait3A_23] : memref<8x128x64xf32, #tpu.memory_space<vmem>> -> memref<1x128x64xf32, #tpu.memory_space<vmem>>
    %dma_wait3A_25 = tpu.memref_squeeze %dma_wait3A_24 : memref<1x128x64xf32, #tpu.memory_space<vmem>> -> memref<128x64xf32, #tpu.memory_space<vmem>>
    tpu.wait_dma2 semaphore(%arg9 : memref<!tpu.dma_semaphore, #tpu.memory_space<semaphore_mem>>) src(%dma_wait3A_25 : memref<128x64xf32, #tpu.memory_space<vmem>>) dst(%dma_wait3A_21 : memref<128x64xf32, #tpu.memory_space<hbm>>)
    %mul3A_26 = arith.constant 200 : i32
    %mul3A_27 = arith.muli %add3A, %mul3A_26 : i32
    %add3A_28 = arith.constant 193 : i32
    %add3A_29 = arith.addi %mul3A_27, %add3A_28 : i32
    %mul3A_30 = arith.constant 128 : i32
    %mul3A_31 = arith.muli %add3A_29, %mul3A_30 : i32
    %dma_wait3A_32 = arith.constant 1 : i32
    %dma_wait3A_33 = arith.constant 0 : i32
    %dma_wait3A_34 = arith.constant 0 : i32
    %dma_wait3A_35 = tpu.memref_slice %arg6[%dma_wait3A_32, %dma_wait3A_33, %dma_wait3A_34] : memref<8x128x64xf32, #tpu.memory_space<vmem>> -> memref<1x128x64xf32, #tpu.memory_space<vmem>>
    %dma_wait3A_36 = tpu.memref_squeeze %dma_wait3A_35 : memref<1x128x64xf32, #tpu.memory_space<vmem>> -> memref<128x64xf32, #tpu.memory_space<vmem>>
    %dma_wait3A_37 = arith.constant 0 : i32
    %dma_wait3A_38 = tpu.memref_slice %arg4[%mul3A_31, %dma_wait3A_37] : memref<819200x64xf32, #tpu.memory_space<hbm>> -> memref<128x64xf32, #tpu.memory_space<hbm>>
    %dma_wait3A_39 = arith.constant 0 : i32
    %dma_wait3A_40 = tpu.memref_slice %arg4[%mul3A_31, %dma_wait3A_39] : memref<819200x64xf32, #tpu.memory_space<hbm>> -> memref<128x64xf32, #tpu.memory_space<hbm>>
    %dma_wait3A_41 = arith.constant 0 : i32
    %dma_wait3A_42 = arith.constant 0 : i32
    %dma_wait3A_43 = tpu.memref_slice %arg6[%dma_wait3A_32, %dma_wait3A_41, %dma_wait3A_42] : memref<8x128x64xf32, #tpu.memory_space<vmem>> -> memref<1x128x64xf32, #tpu.memory_space<vmem>>
    %dma_wait3A_44 = tpu.memref_squeeze %dma_wait3A_43 : memref<1x128x64xf32, #tpu.memory_space<vmem>> -> memref<128x64xf32, #tpu.memory_space<vmem>>
    tpu.wait_dma2 semaphore(%arg9 : memref<!tpu.dma_semaphore, #tpu.memory_space<semaphore_mem>>) src(%dma_wait3A_44 : memref<128x64xf32, #tpu.memory_space<vmem>>) dst(%dma_wait3A_40 : memref<128x64xf32, #tpu.memory_space<hbm>>)
    %mul3A_45 = arith.constant 200 : i32
    %mul3A_46 = arith.muli %add3A, %mul3A_45 : i32
    %add3A_47 = arith.constant 194 : i32
    %add3A_48 = arith.addi %mul3A_46, %add3A_47 : i32
    %mul3A_49 = arith.constant 128 : i32
    %mul3A_50 = arith.muli %add3A_48, %mul3A_49 : i32
    %dma_wait3A_51 = arith.constant 2 : i32
    %dma_wait3A_52 = arith.constant 0 : i32
    %dma_wait3A_53 = arith.constant 0 : i32
    %dma_wait3A_54 = tpu.memref_slice %arg6[%dma_wait3A_51, %dma_wait3A_52, %dma_wait3A_53] : memref<8x128x64xf32, #tpu.memory_space<vmem>> -> memref<1x128x64xf32, #tpu.memory_space<vmem>>
    %dma_wait3A_55 = tpu.memref_squeeze %dma_wait3A_54 : memref<1x128x64xf32, #tpu.memory_space<vmem>> -> memref<128x64xf32, #tpu.memory_space<vmem>>
    %dma_wait3A_56 = arith.constant 0 : i32
    %dma_wait3A_57 = tpu.memref_slice %arg4[%mul3A_50, %dma_wait3A_56] : memref<819200x64xf32, #tpu.memory_space<hbm>> -> memref<128x64xf32, #tpu.memory_space<hbm>>
    %dma_wait3A_58 = arith.constant 0 : i32
    %dma_wait3A_59 = tpu.memref_slice %arg4[%mul3A_50, %dma_wait3A_58] : memref<819200x64xf32, #tpu.memory_space<hbm>> -> memref<128x64xf32, #tpu.memory_space<hbm>>
    %dma_wait3A_60 = arith.constant 0 : i32
    %dma_wait3A_61 = arith.constant 0 : i32
    %dma_wait3A_62 = tpu.memref_slice %arg6[%dma_wait3A_51, %dma_wait3A_60, %dma_wait3A_61] : memref<8x128x64xf32, #tpu.memory_space<vmem>> -> memref<1x128x64xf32, #tpu.memory_space<vmem>>
    %dma_wait3A_63 = tpu.memref_squeeze %dma_wait3A_62 : memref<1x128x64xf32, #tpu.memory_space<vmem>> -> memref<128x64xf32, #tpu.memory_space<vmem>>
    tpu.wait_dma2 semaphore(%arg9 : memref<!tpu.dma_semaphore, #tpu.memory_space<semaphore_mem>>) src(%dma_wait3A_63 : memref<128x64xf32, #tpu.memory_space<vmem>>) dst(%dma_wait3A_59 : memref<128x64xf32, #tpu.memory_space<hbm>>)
    %mul3A_64 = arith.constant 200 : i32
    %mul3A_65 = arith.muli %add3A, %mul3A_64 : i32
    %add3A_66 = arith.constant 195 : i32
    %add3A_67 = arith.addi %mul3A_65, %add3A_66 : i32
    %mul3A_68 = arith.constant 128 : i32
    %mul3A_69 = arith.muli %add3A_67, %mul3A_68 : i32
    %dma_wait3A_70 = arith.constant 3 : i32
    %dma_wait3A_71 = arith.constant 0 : i32
    %dma_wait3A_72 = arith.constant 0 : i32
    %dma_wait3A_73 = tpu.memref_slice %arg6[%dma_wait3A_70, %dma_wait3A_71, %dma_wait3A_72] : memref<8x128x64xf32, #tpu.memory_space<vmem>> -> memref<1x128x64xf32, #tpu.memory_space<vmem>>
    %dma_wait3A_74 = tpu.memref_squeeze %dma_wait3A_73 : memref<1x128x64xf32, #tpu.memory_space<vmem>> -> memref<128x64xf32, #tpu.memory_space<vmem>>
    %dma_wait3A_75 = arith.constant 0 : i32
    %dma_wait3A_76 = tpu.memref_slice %arg4[%mul3A_69, %dma_wait3A_75] : memref<819200x64xf32, #tpu.memory_space<hbm>> -> memref<128x64xf32, #tpu.memory_space<hbm>>
    %dma_wait3A_77 = arith.constant 0 : i32
    %dma_wait3A_78 = tpu.memref_slice %arg4[%mul3A_69, %dma_wait3A_77] : memref<819200x64xf32, #tpu.memory_space<hbm>> -> memref<128x64xf32, #tpu.memory_space<hbm>>
    %dma_wait3A_79 = arith.constant 0 : i32
    %dma_wait3A_80 = arith.constant 0 : i32
    %dma_wait3A_81 = tpu.memref_slice %arg6[%dma_wait3A_70, %dma_wait3A_79, %dma_wait3A_80] : memref<8x128x64xf32, #tpu.memory_space<vmem>> -> memref<1x128x64xf32, #tpu.memory_space<vmem>>
    %dma_wait3A_82 = tpu.memref_squeeze %dma_wait3A_81 : memref<1x128x64xf32, #tpu.memory_space<vmem>> -> memref<128x64xf32, #tpu.memory_space<vmem>>
    tpu.wait_dma2 semaphore(%arg9 : memref<!tpu.dma_semaphore, #tpu.memory_space<semaphore_mem>>) src(%dma_wait3A_82 : memref<128x64xf32, #tpu.memory_space<vmem>>) dst(%dma_wait3A_78 : memref<128x64xf32, #tpu.memory_space<hbm>>)
    %mul3A_83 = arith.constant 200 : i32
    %mul3A_84 = arith.muli %add3A, %mul3A_83 : i32
    %add3A_85 = arith.constant 196 : i32
    %add3A_86 = arith.addi %mul3A_84, %add3A_85 : i32
    %mul3A_87 = arith.constant 128 : i32
    %mul3A_88 = arith.muli %add3A_86, %mul3A_87 : i32
    %dma_wait3A_89 = arith.constant 4 : i32
    %dma_wait3A_90 = arith.constant 0 : i32
    %dma_wait3A_91 = arith.constant 0 : i32
    %dma_wait3A_92 = tpu.memref_slice %arg6[%dma_wait3A_89, %dma_wait3A_90, %dma_wait3A_91] : memref<8x128x64xf32, #tpu.memory_space<vmem>> -> memref<1x128x64xf32, #tpu.memory_space<vmem>>
    %dma_wait3A_93 = tpu.memref_squeeze %dma_wait3A_92 : memref<1x128x64xf32, #tpu.memory_space<vmem>> -> memref<128x64xf32, #tpu.memory_space<vmem>>
    %dma_wait3A_94 = arith.constant 0 : i32
    %dma_wait3A_95 = tpu.memref_slice %arg4[%mul3A_88, %dma_wait3A_94] : memref<819200x64xf32, #tpu.memory_space<hbm>> -> memref<128x64xf32, #tpu.memory_space<hbm>>
    %dma_wait3A_96 = arith.constant 0 : i32
    %dma_wait3A_97 = tpu.memref_slice %arg4[%mul3A_88, %dma_wait3A_96] : memref<819200x64xf32, #tpu.memory_space<hbm>> -> memref<128x64xf32, #tpu.memory_space<hbm>>
    %dma_wait3A_98 = arith.constant 0 : i32
    %dma_wait3A_99 = arith.constant 0 : i32
    %dma_wait3A_100 = tpu.memref_slice %arg6[%dma_wait3A_89, %dma_wait3A_98, %dma_wait3A_99] : memref<8x128x64xf32, #tpu.memory_space<vmem>> -> memref<1x128x64xf32, #tpu.memory_space<vmem>>
    %dma_wait3A_101 = tpu.memref_squeeze %dma_wait3A_100 : memref<1x128x64xf32, #tpu.memory_space<vmem>> -> memref<128x64xf32, #tpu.memory_space<vmem>>
    tpu.wait_dma2 semaphore(%arg10 : memref<!tpu.dma_semaphore, #tpu.memory_space<semaphore_mem>>) src(%dma_wait3A_101 : memref<128x64xf32, #tpu.memory_space<vmem>>) dst(%dma_wait3A_97 : memref<128x64xf32, #tpu.memory_space<hbm>>)
    %mul3A_102 = arith.constant 200 : i32
    %mul3A_103 = arith.muli %add3A, %mul3A_102 : i32
    %add3A_104 = arith.constant 197 : i32
    %add3A_105 = arith.addi %mul3A_103, %add3A_104 : i32
    %mul3A_106 = arith.constant 128 : i32
    %mul3A_107 = arith.muli %add3A_105, %mul3A_106 : i32
    %dma_wait3A_108 = arith.constant 5 : i32
    %dma_wait3A_109 = arith.constant 0 : i32
    %dma_wait3A_110 = arith.constant 0 : i32
    %dma_wait3A_111 = tpu.memref_slice %arg6[%dma_wait3A_108, %dma_wait3A_109, %dma_wait3A_110] : memref<8x128x64xf32, #tpu.memory_space<vmem>> -> memref<1x128x64xf32, #tpu.memory_space<vmem>>
    %dma_wait3A_112 = tpu.memref_squeeze %dma_wait3A_111 : memref<1x128x64xf32, #tpu.memory_space<vmem>> -> memref<128x64xf32, #tpu.memory_space<vmem>>
    %dma_wait3A_113 = arith.constant 0 : i32
    %dma_wait3A_114 = tpu.memref_slice %arg4[%mul3A_107, %dma_wait3A_113] : memref<819200x64xf32, #tpu.memory_space<hbm>> -> memref<128x64xf32, #tpu.memory_space<hbm>>
    %dma_wait3A_115 = arith.constant 0 : i32
    %dma_wait3A_116 = tpu.memref_slice %arg4[%mul3A_107, %dma_wait3A_115] : memref<819200x64xf32, #tpu.memory_space<hbm>> -> memref<128x64xf32, #tpu.memory_space<hbm>>
    %dma_wait3A_117 = arith.constant 0 : i32
    %dma_wait3A_118 = arith.constant 0 : i32
    %dma_wait3A_119 = tpu.memref_slice %arg6[%dma_wait3A_108, %dma_wait3A_117, %dma_wait3A_118] : memref<8x128x64xf32, #tpu.memory_space<vmem>> -> memref<1x128x64xf32, #tpu.memory_space<vmem>>
    %dma_wait3A_120 = tpu.memref_squeeze %dma_wait3A_119 : memref<1x128x64xf32, #tpu.memory_space<vmem>> -> memref<128x64xf32, #tpu.memory_space<vmem>>
    tpu.wait_dma2 semaphore(%arg10 : memref<!tpu.dma_semaphore, #tpu.memory_space<semaphore_mem>>) src(%dma_wait3A_120 : memref<128x64xf32, #tpu.memory_space<vmem>>) dst(%dma_wait3A_116 : memref<128x64xf32, #tpu.memory_space<hbm>>)
    %mul3A_121 = arith.constant 200 : i32
    %mul3A_122 = arith.muli %add3A, %mul3A_121 : i32
    %add3A_123 = arith.constant 198 : i32
    %add3A_124 = arith.addi %mul3A_122, %add3A_123 : i32
    %mul3A_125 = arith.constant 128 : i32
    %mul3A_126 = arith.muli %add3A_124, %mul3A_125 : i32
    %dma_wait3A_127 = arith.constant 6 : i32
    %dma_wait3A_128 = arith.constant 0 : i32
    %dma_wait3A_129 = arith.constant 0 : i32
    %dma_wait3A_130 = tpu.memref_slice %arg6[%dma_wait3A_127, %dma_wait3A_128, %dma_wait3A_129] : memref<8x128x64xf32, #tpu.memory_space<vmem>> -> memref<1x128x64xf32, #tpu.memory_space<vmem>>
    %dma_wait3A_131 = tpu.memref_squeeze %dma_wait3A_130 : memref<1x128x64xf32, #tpu.memory_space<vmem>> -> memref<128x64xf32, #tpu.memory_space<vmem>>
    %dma_wait3A_132 = arith.constant 0 : i32
    %dma_wait3A_133 = tpu.memref_slice %arg4[%mul3A_126, %dma_wait3A_132] : memref<819200x64xf32, #tpu.memory_space<hbm>> -> memref<128x64xf32, #tpu.memory_space<hbm>>
    %dma_wait3A_134 = arith.constant 0 : i32
    %dma_wait3A_135 = tpu.memref_slice %arg4[%mul3A_126, %dma_wait3A_134] : memref<819200x64xf32, #tpu.memory_space<hbm>> -> memref<128x64xf32, #tpu.memory_space<hbm>>
    %dma_wait3A_136 = arith.constant 0 : i32
    %dma_wait3A_137 = arith.constant 0 : i32
    %dma_wait3A_138 = tpu.memref_slice %arg6[%dma_wait3A_127, %dma_wait3A_136, %dma_wait3A_137] : memref<8x128x64xf32, #tpu.memory_space<vmem>> -> memref<1x128x64xf32, #tpu.memory_space<vmem>>
    %dma_wait3A_139 = tpu.memref_squeeze %dma_wait3A_138 : memref<1x128x64xf32, #tpu.memory_space<vmem>> -> memref<128x64xf32, #tpu.memory_space<vmem>>
    tpu.wait_dma2 semaphore(%arg10 : memref<!tpu.dma_semaphore, #tpu.memory_space<semaphore_mem>>) src(%dma_wait3A_139 : memref<128x64xf32, #tpu.memory_space<vmem>>) dst(%dma_wait3A_135 : memref<128x64xf32, #tpu.memory_space<hbm>>)
    %mul3A_140 = arith.constant 200 : i32
    %mul3A_141 = arith.muli %add3A, %mul3A_140 : i32
    %add3A_142 = arith.constant 199 : i32
    %add3A_143 = arith.addi %mul3A_141, %add3A_142 : i32
    %mul3A_144 = arith.constant 128 : i32
    %mul3A_145 = arith.muli %add3A_143, %mul3A_144 : i32
    %dma_wait3A_146 = arith.constant 7 : i32
    %dma_wait3A_147 = arith.constant 0 : i32
    %dma_wait3A_148 = arith.constant 0 : i32
    %dma_wait3A_149 = tpu.memref_slice %arg6[%dma_wait3A_146, %dma_wait3A_147, %dma_wait3A_148] : memref<8x128x64xf32, #tpu.memory_space<vmem>> -> memref<1x128x64xf32, #tpu.memory_space<vmem>>
    %dma_wait3A_150 = tpu.memref_squeeze %dma_wait3A_149 : memref<1x128x64xf32, #tpu.memory_space<vmem>> -> memref<128x64xf32, #tpu.memory_space<vmem>>
    %dma_wait3A_151 = arith.constant 0 : i32
    %dma_wait3A_152 = tpu.memref_slice %arg4[%mul3A_145, %dma_wait3A_151] : memref<819200x64xf32, #tpu.memory_space<hbm>> -> memref<128x64xf32, #tpu.memory_space<hbm>>
    %dma_wait3A_153 = arith.constant 0 : i32
    %dma_wait3A_154 = tpu.memref_slice %arg4[%mul3A_145, %dma_wait3A_153] : memref<819200x64xf32, #tpu.memory_space<hbm>> -> memref<128x64xf32, #tpu.memory_space<hbm>>
    %dma_wait3A_155 = arith.constant 0 : i32
    %dma_wait3A_156 = arith.constant 0 : i32
    %dma_wait3A_157 = tpu.memref_slice %arg6[%dma_wait3A_146, %dma_wait3A_155, %dma_wait3A_156] : memref<8x128x64xf32, #tpu.memory_space<vmem>> -> memref<1x128x64xf32, #tpu.memory_space<vmem>>
    %dma_wait3A_158 = tpu.memref_squeeze %dma_wait3A_157 : memref<1x128x64xf32, #tpu.memory_space<vmem>> -> memref<128x64xf32, #tpu.memory_space<vmem>>
    tpu.wait_dma2 semaphore(%arg10 : memref<!tpu.dma_semaphore, #tpu.memory_space<semaphore_mem>>) src(%dma_wait3A_158 : memref<128x64xf32, #tpu.memory_space<vmem>>) dst(%dma_wait3A_154 : memref<128x64xf32, #tpu.memory_space<hbm>>)
    return
  }
}

module attributes {stable_mosaic.version = 14 : i64} {
  func.func @body(%arg0: i32, %arg1: memref<64x4096xf32, #tpu.memory_space<vmem>>, %arg2: memref<4096x128xf32, #tpu.memory_space<vmem>>) attributes {dimension_semantics = [#tpu.dimension_semantics<arbitrary>], iteration_bounds = array<i64: 245>, scalar_prefetch = 0 : i64, scratch_operands = 0 : i64, tpu.core_type = #tpu.core_type<tc>, window_params = [{transform_indices = @transform_0, window_bounds = array<i64: 64, 4096>}, {transform_indices = @transform_1, window_bounds = array<i64: 4096, 128>}]} {
    %get3A = arith.constant 0 : index
    %get3A_0 = arith.constant 0 : index
    %get3A_1 = vector.load %arg1[%get3A, %get3A_0] : memref<64x4096xf32, #tpu.memory_space<vmem>>, vector<64x4096xf32>
    %transpose3A = tpu.transpose %get3A_1, [1, 0] : vector<64x4096xf32> -> vector<4096x64xf32>
    %swap3A = arith.constant 0 : index
    %swap3A_2 = arith.constant 0 : index
    %swap3A_3 = vector.load %arg2[%swap3A, %swap3A_2] : memref<4096x128xf32, #tpu.memory_space<vmem>>, vector<4096x64xf32>
    tpu.vector_store %arg2[%swap3A, %swap3A_2], %transpose3A {strides = array<i32>} : memref<4096x128xf32, #tpu.memory_space<vmem>>, vector<4096x64xf32>,
    return
  }
  func.func @transform_0(%arg0: i32) -> (i32, i32) {
    %c0_i32 = arith.constant 0 : i32
    %c0_i32_0 = arith.constant 0 : i32
    return %c0_i32, %arg0 : i32, i32
  }
  func.func @transform_1(%arg0: i32) -> (i32, i32) {
    %c0_i32 = arith.constant 0 : i32
    %c0_i32_0 = arith.constant 0 : i32
    return %arg0, %c0_i32 : i32, i32
  }
}

module attributes {stable_mosaic.version = 14 : i64} {
  func.func @body(%arg0: i32, %arg1: memref<2048x128xf32, #tpu.memory_space<vmem>>, %arg2: memref<1x64x4096xf32, #tpu.memory_space<vmem>>) attributes {dimension_semantics = [#tpu.dimension_semantics<arbitrary>], iteration_bounds = array<i64: 200>, scalar_prefetch = 0 : i64, scratch_operands = 0 : i64, tpu.core_type = #tpu.core_type<tc>, window_params = [{transform_indices = @transform_0, window_bounds = array<i64: 2048, 128>}, {transform_indices = @transform_1, window_bounds = array<i64: 1, 64, 4096>}]} {
    %get3A = arith.constant 0 : index
    %get3A_0 = arith.constant 0 : index
    %get3A_1 = vector.load %arg1[%get3A, %get3A_0] : memref<2048x128xf32, #tpu.memory_space<vmem>>, vector<2048x128xf32>
    %transpose3A = tpu.transpose %get3A_1, [1, 0] : vector<2048x128xf32> -> vector<128x2048xf32>
    %mul3A = arith.constant 8.000000e+00 : f32
    %mul3A_2 = vector.broadcast %mul3A : f32 to vector<128x2048xf32>
    %mul3A_3 = arith.mulf %transpose3A, %mul3A_2 : vector<128x2048xf32>
    %slice3A = vector.extract_strided_slice %mul3A_3 {offsets = [0, 0], sizes = [64, 2048], strides = [1, 1]} : vector<128x2048xf32> to vector<64x2048xf32>
    %swap3A = arith.constant 0 : index
    %swap3A_4 = arith.constant 0 : index
    %swap3A_5 = arith.constant 0 : index
    %swap3A_6 = vector.load %arg2[%swap3A, %swap3A_4, %swap3A_5] : memref<1x64x4096xf32, #tpu.memory_space<vmem>>, vector<1x64x2048xf32>
    %swap3A_7 = vector.shape_cast %swap3A_6 : vector<1x64x2048xf32> to vector<64x2048xf32>
    %swap3A_8 = vector.shape_cast %slice3A : vector<64x2048xf32> to vector<1x64x2048xf32>
    tpu.vector_store %arg2[%swap3A, %swap3A_4, %swap3A_5], %swap3A_8 {strides = array<i32>} : memref<1x64x4096xf32, #tpu.memory_space<vmem>>, vector<1x64x2048xf32>,
    %slice3A_9 = vector.extract_strided_slice %mul3A_3 {offsets = [64, 0], sizes = [64, 2048], strides = [1, 1]} : vector<128x2048xf32> to vector<64x2048xf32>
    %swap3A_10 = arith.constant 0 : index
    %swap3A_11 = arith.constant 0 : index
    %swap3A_12 = arith.constant 2048 : index
    %swap3A_13 = vector.load %arg2[%swap3A_10, %swap3A_11, %swap3A_12] : memref<1x64x4096xf32, #tpu.memory_space<vmem>>, vector<1x64x2048xf32>
    %swap3A_14 = vector.shape_cast %swap3A_13 : vector<1x64x2048xf32> to vector<64x2048xf32>
    %swap3A_15 = vector.shape_cast %slice3A_9 : vector<64x2048xf32> to vector<1x64x2048xf32>
    tpu.vector_store %arg2[%swap3A_10, %swap3A_11, %swap3A_12], %swap3A_15 {strides = array<i32>} : memref<1x64x4096xf32, #tpu.memory_space<vmem>>, vector<1x64x2048xf32>,
    return
  }
  func.func @transform_0(%arg0: i32) -> (i32, i32) {
    %c0_i32 = arith.constant 0 : i32
    %c0_i32_0 = arith.constant 0 : i32
    return %arg0, %c0_i32 : i32, i32
  }
  func.func @transform_1(%arg0: i32) -> (i32, i32, i32) {
    %c0_i32 = arith.constant 0 : i32
    %c0_i32_0 = arith.constant 0 : i32
    %c0_i32_1 = arith.constant 0 : i32
    return %arg0, %c0_i32, %c0_i32_0 : i32, i32, i32
  }
}

</mosaic_0001>

<sc_bundles>
// kernel: gather_offload_async_start
scs
__scs_entry_jumppad:
0x0: {  	(pc) =	sbr.rel $0x88, $3  }
0x1: {  	(tag) =	ssettag $0x0;
	lr =	simm.s32 $0x1  }
0x2: {  	[smem:$0x3F9F] =	sst lr;
	_ =	strace $0xD0000000  }
0x3: {  	_ = 	snop  }
0x4: {  	_ = 	snop  }
0x5: {  	_ = 	snop  }
0x6: {  	_ = 	snop  }
0x7: {  	_ = 	snop  }
__scs_overlays_trampoline_lowered:
0x8: {  	[smem:$0x3FAE] =	sst s0  }
0x9: {  	[smem:$0x3FAF] =	sst s1  }
0xa: {  	[smem:$0x3FB0] =	sst s2  }
0xb: {  	[smem:$0x3FB1] =	sst s3  }
0xc: {  	[smem:$0x3FB2] =	sst s4  }
0xd: {  	[smem:$0x3FB3] =	sst s5  }
0xe: {  	[smem:$0x3FB4] =	sst s6  }
0xf: {  	[smem:$0x3FB5] =	sst s7  }
0x10: {  	[smem:$0x3FB6] =	sst s8  }
0x11: {  	[smem:$0x3FB7] =	sst s9;
	s0 =	simm.s32 @!p0 $0x0  }
0x12: {  	s1 =	sld [smem:$0x3F9D];
	s0 =	simm.s32 @p0 $0x1  }
0x13: {  	[smem:$0x3FB8] =	sst s0;
	s0 =	simm.s32 @!p1 $0x0  }
0x14: {  	s2 =	sld [smem:$0x3F9C];
	s0 =	simm.s32 @p1 $0x1  }
0x15: {  	[smem:$0x3FB9] =	sst s0;
	s0 =	simm.s32 @!p2 $0x0  }
0x16: {  	s3 =	sld [smem:$0x3FDB];
	s0 =	simm.s32 @p2 $0x1  }
0x17: {  	s4 =	simm.s32 $0x1BF5;
	[smem:$0x3FBB] =	sst s0  }
0x18: {  	s0 =	sld [smem:$0x3F9E];
	_ =	swait.ge [sflag:s4], $0x0  }
0x19: {  	s7 =	sld [smem:$0x3F9F]  }
0x1a: {  	s8 =	sadd.s32 $0xFFFFE003, lr  }
0x1b: {  	s9 =	sadd.s32 $0xFFFFFEF7, lr;
	s5 =	simm.s32 $0xFFFFFFFF;
	p2 =	slt.u32 s8, $0xFFFFF086  }
0x1c: {  	p1 =	slt.u32 s9, $0xF7A;
	s5 =	simm.s32 @!p2 $0x0  }
0x1d: {  	s5 =	simm.s32 @p1 $0x1;
	p0 =	seq.s32 s7, s2  }
0x1e: {  	s7 =	smul.u32 @!p0 $0xF7A, s2;
	p2 =	seq.s32 @!p0 s5, $0x0  }
0x1f: {  	s9 =	smul.u32 $0xF7A, s1;
	s8 =	simm.s32 @!p0 $0x1BF5;
	p2 =	por !p2, p0  }
0x20: {  	[sflag:s8] =	ssyncset.s32 @!p0 $0xFFFFF086;
	s6 =	sadd.s32 @!p0 s3, s7;
	s7 =	simm.s32 @!p0 $0x108  }
0x21: {  	s3 =	sadd.s32 s3, s9;
	s6 =	sadd.s32 @!p0 $0x88, s6;
	s7 =	simm.s32 @p2 $0x1082  }
0x22: {  	[simem:s7], [sflag:s8] =	dma.local @!p0 [hbm:s6], $0xF7A  }
0x23: {  	s9 =	sor.u32 $0xD0000000, s2;
	s6 =	simm.s32 $0x108;
	_ =	swait.ge @!p0 [sflag:s8], $0x0  }
0x24: {  	s3 =	sadd.s32 $0x88, s3;
	s6 =	simm.s32 @!p1 $0x1082;
	[sflag:s4] =	ssyncset.s32 $0xFFFFF086  }
0x25: {  	[simem:s6], [sflag:s4] =	dma.local [hbm:s3], $0xF7A  }
0x26: {  	[smem:$0x3F9F] =	sst s1;
	(tag) =	ssettag s2;
	_ =	strace s9  }
0x27: {  	s1 =	sld [smem:$0x3FAF]  }
0x28: {  	s2 =	sld [smem:$0x3FB0]  }
0x29: {  	s4 =	sld [smem:$0x3FB2]  }
0x2a: {  	p0 =	seq.s32 s5, $0x0;
	s5 =	sld [smem:$0x3FB3]  }
0x2b: {  	s6 =	sld [smem:$0x3FB4]  }
0x2c: {  	s7 =	sld [smem:$0x3FB5]  }
0x2d: {  	s3 =	simm.s32 $0x108;
	s8 =	sld [smem:$0x3FB6]  }
0x2e: {  	s3 =	simm.s32 @!p0 $0x1082;
	s9 =	sld [smem:$0x3FB7]  }
0x2f: {  	lr =	sadd.s32 s0, s3;
	s0 =	sld [smem:$0x3FAE]  }
0x30: {  	s3 =	sld [smem:$0x3FB1]  }
0x31: {  	[smem:$0x3FBA] =	sst s10  }
0x32: {  	s10 =	sld [smem:$0x3FB8];
	_ =	sdelay $0x3  }
0x33: {  	p0 =	seq.s32 s10, $0x1;
	s10 =	sld [smem:$0x3FBA];
	_ =	sdelay $0x3  }
0x34: {  	[smem:$0x3FBA] =	sst s10  }
0x35: {  	s10 =	sld [smem:$0x3FB9];
	_ =	sdelay $0x3  }
0x36: {  	p1 =	seq.s32 s10, $0x1;
	s10 =	sld [smem:$0x3FBA];
	_ =	sdelay $0x3  }
0x37: {  	[smem:$0x3FBA] =	sst s10  }
0x38: {  	s10 =	sld [smem:$0x3FBB]  }
0x39: {  	_ = 	snop;
	(pc) =	sbr.ind lr, $3  }
0x3a: {  	_ = 	snop  }
0x3b: {  	_ = 	snop  }
0x3c: {  	p2 =	seq.s32 s10, $0x1;
	s10 =	sld [smem:$0x3FBA]  }
0x3d: {  	_ =	shalt  }
0x3e: {  	_ =	shalt  }
0x3f: {  	_ =	shalt  }
0x40: {  	_ =	shalt  }
0x41: {  	_ =	shalt  }
0x42: {  	_ =	shalt  }
0x43: {  	_ =	shalt  }
0x44: {  	_ =	shalt  }
0x45: {  	_ =	shalt  }
0x46: {  	_ =	shalt  }
0x47: {  	_ =	shalt  }
0x48: {  	_ =	shalt  }
0x49: {  	_ =	shalt  }
0x4a: {  	_ =	shalt  }
0x4b: {  	_ =	shalt  }
0x4c: {  	_ =	shalt  }
0x4d: {  	_ =	shalt  }
0x4e: {  	_ =	shalt  }
0x4f: {  	_ =	shalt  }
0x50: {  	_ =	shalt  }
0x51: {  	_ =	shalt  }
0x52: {  	_ =	shalt  }
0x53: {  	_ =	shalt  }
0x54: {  	_ =	shalt  }
0x55: {  	_ =	shalt  }
0x56: {  	_ =	shalt  }
0x57: {  	_ =	shalt  }
0x58: {  	_ =	shalt  }
0x59: {  	_ =	shalt  }
0x5a: {  	_ =	shalt  }
0x5b: {  	_ =	shalt  }
0x5c: {  	_ =	shalt  }
0x5d: {  	_ =	shalt  }
0x5e: {  	_ =	shalt  }
0x5f: {  	_ =	shalt  }
0x60: {  	_ =	shalt  }
0x61: {  	_ =	shalt  }
0x62: {  	_ =	shalt  }
0x63: {  	_ =	shalt  }
0x64: {  	_ =	shalt  }
0x65: {  	_ =	shalt  }
0x66: {  	_ =	shalt  }
0x67: {  	_ =	shalt  }
0x68: {  	_ =	shalt  }
0x69: {  	_ =	shalt  }
0x6a: {  	_ =	shalt  }
0x6b: {  	_ =	shalt  }
0x6c: {  	_ =	shalt  }
0x6d: {  	_ =	shalt  }
0x6e: {  	_ =	shalt  }
0x6f: {  	_ =	shalt  }
0x70: {  	_ =	shalt  }
0x71: {  	_ =	shalt  }
0x72: {  	_ =	shalt  }
0x73: {  	_ =	shalt  }
0x74: {  	_ =	shalt  }
0x75: {  	_ =	shalt  }
0x76: {  	_ =	shalt  }
0x77: {  	_ =	shalt  }
0x78: {  	_ =	shalt  }
0x79: {  	_ =	shalt  }
0x7a: {  	_ =	shalt  }
0x7b: {  	_ =	shalt  }
0x7c: {  	_ =	shalt  }
0x7d: {  	_ =	shalt  }
0x7e: {  	_ =	shalt  }
0x7f: {  	_ =	shalt  }
0x80: {  	_ =	shalt  }
0x81: {  	_ =	shalt  }
0x82: {  	_ =	shalt  }
0x83: {  	_ =	shalt  }
0x84: {  	_ =	shalt  }
0x85: {  	_ =	shalt  }
0x86: {  	_ =	shalt  }
0x87: {  	_ =	shalt  }
.Lfunc_end0:
.L_simem_size_0:
called_computation_lowered:
.L_overlay_start_0:
0x88: {  	s2 =	sld [smem:$0x3FD9]  }
0x89: {  	s3 =	sld [smem:$0x3FFE];
	_ =	sdelay $0x1  }
0x8a: {  	s1 =	srdreg.scid  }
0x8b: {  	s0 =	sand.u32 $0x1, s1  }
0x8c: {  	s17 =	sshll.u32 s0, $0xA;
	s2 =	sadd.s32 s3, s2  }
0x8d: {  	s2 =	sadd.s32 s2, s17  }
0x8e: {  	[smem:$0x3FC6] =	sst s2  }
0x8f: {  	_ = 	snop  }
0x90: {  	s2 =	sld [smem:$0x3FD0];
	(tm) =	ssettm $0x1  }
0x91: {  	s18 =	sld [smem:$0x3FFB];
	_ =	sdelay $0x3  }
0x92: {  	_ =	strace s18  }
0x93: {  	s3 =	sld [smem:$0x3FFC];
	_ =	sdelay $0x3  }
0x94: {  	_ =	strace s3  }
0x95: {  	s3 =	sld [smem:$0x3FFD];
	_ =	sdelay $0x3  }
0x96: {  	_ =	strace s3  }
0x97: {  	_ =	strace $0x8FFFFFFF  }
0x98: {  	s19 =	sld [smem:$0x3FDB];
	_ =	sdelay $0x1  }
0x99: {  	s4 =	simm.s32 $_scs_section_size  }
0x9a: {  	s5 =	simm.s32 $_size__tile_overlayer_lowered;
	s6 =	simm.s32 $_tile_overlayer_lowered  }
0x9b: {  	s22 =	simm.s32 $0x1BFF;
	s21 =	sshll.u32 s6, $0x1;
	s3 =	sadd.s32 s4, s19  }
0x9c: {  	s7 =	simm.s32 $0x0;
	s20 =	sshll.u32 s5, $0x1;
	s5 =	sadd.s32 s21, s3  }
0x9d: {  	[timem:s7], [sflag:s22] =	dma.local [hbm:s5], s20  }
0x9e: {  	_ =	swait.ge [sflag:s22], s20  }
0x9f: {  	s4 =	ssub.s32 $0x0, s20;
	[sflag:s22] =	ssyncset.done $0x0  }
0xa0: {  	[sflag:s22] =	ssyncadd.s32 s4;
	_ =	sdelay $0x1  }
0xa1: {  	s23 =	simm.s32 $0x1B8B  }
0xa2: {  	_ =	swait.ge [sflag:s23], $0x1  }
0xa3: {  	[sflag:s23] =	ssyncset.done $0x0  }
0xa4: {  	s25 =	simm.s32 $0x1B8E;
	s24 =	sld [smem:$0x3FFE];
	[sflag:s23] =	ssyncadd.s32 $0xFFFFFFFF  }
0xa5: {  	s26 =	simm.s32 $execute0_lowered;
	[smem:$0x3FD2] =	sst s25  }
0xa6: {  	s5 =	sshll.u32 s26, $0x1;
	_ =	strace $0x80000046;
	[dreg:$0x1] =	wrdreg $0xFFFFFFFF  }
0xa7: {  	s28 =	simm.s32 $_size_execute0_lowered;
	s3 =	sadd.s32 s3, s5;
	[dreg:$0x0] =	wrdreg $0x0  }
0xa8: {  	s5 =	sshll.u32 s28, $0x1;
	[dreg:$0x2] =	wrdreg s3  }
0xa9: {  	[dreg:$0x3] =	wrdreg s5  }
0xaa: {  	[dreg:$0x4] =	wrdreg $0xC0  }
0xab: {  	_ =	task [dreg:s7], $0x5FFFF  }
0xac: {  	[dreg:$0x1] =	wrdreg $0xFFFFFFFF  }
0xad: {  	[dreg:$0x0] =	wrdreg $0x60  }
0xae: {  	[dreg:$0x2] =	wrdreg s2  }
0xaf: {  	[dreg:$0x3] =	wrdreg s24  }
0xb0: {  	[dreg:$0x4] =	wrdreg $0x9  }
0xb1: {  	_ =	task.clear_ibuf [dreg:s7], $0x5FFFF;
	_ =	strace $0x90000046  }
0xb2: {  	s29 =	simm.s32 $0x9;
	_ =	strace $0x80000048  }
0xb3: {  	_ =	swait.ge [sflag:s29], $0x1  }
0xb4: {  	[sflag:s29] =	ssyncadd.s32 $0xFFFFFFFF  }
0xb5: {  	_ =	strace $0x90000048  }
0xb6: {  	_ =	sfence  }
0xb7: {  	s30 =	sld [smem:$0x0];
	_ =	sdelay $0x2  }
0xb8: {  	s31 =	sshll.u32 s1, $0xD;
	s1 =	sshrl.u32 s1, $0x2  }
0xb9: {  	s3 =	sand.u32 $0x4000, s31;
	s1 =	sadd.s32 s1, s30  }
0xba: {  	s0 =	sor.u32 s3, s0;
	s1 =	sshll.u32 s1, $0x11  }
0xbb: {  	s0 =	sor.u32 s1, s0  }
0xbc: {  	s0 =	sadd.s32 $0x8F2B, s0  }
0xbd: {  	[sflag:s0] =	ssyncadd.remote.s32 $0x1  }
0xbe: {  	_ =	sfence.sel $0xFFFF  }
0xbf: {  	[dreg:$0x0] =	wrdreg $0xFFFFFFFF;
	(pc) =	sbr.abs _section_cstart, $3  }
0xc0: {  	[dreg:$0x1] =	wrdreg $0xFFFFFFFF  }
0xc1: {  	_ =	task.clear_ibuf [dreg:s7], $0x2FFFF;
	_ =	strace $0x9FFFFFFF  }
0xc2: {  	(tm) =	ssettm $0x7FFFFFFF  }
0xc3: {  	_ =	shalt  }
tec
execute0_lowered:
.L_overlay_start_1:
0x0: {  	(tag) =	ssettag $0x1  }
0x1: {  	s2 =	rddreg [dreg:$0x0];
	s0 =	stileid.u32  }
0x2: {  	s1 =	srdreg.scid;
	s8 =	rddreg [dreg:$0x1]  }
0x3: {  	s5 =	simm.s32 $0x1;
	s9 =	simm.s32 $0x1;
	s10 =	simm.s32 $0x3  }
0x4: {  	s13 =	simm.s32 $0x0;
	s3 =	sand.u32 $0x1, s1;
	s4 =	sshll.u32 s0, $0x1  }
0x5: {  	s12 =	simm.s32 $0x0;
	s1 =	rddreg [dreg:$0x2];
	s6 =	sor.u32 s4, s3  }
0x6: {  	_ =	strace $0x80000047;
	s3 =	sadd.s32 $0xA00, s8;
	s4 =	smul.u32 $0x5000, s6  }
0x7: {  	[sflag:s5] =	ssyncpa.u1 $0x0;
	p0 =	slt.u32 s6, $0x9;
	s6 =	simm.s32 $0xA0000  }
.Ltmp0:
0x8: {  	s6 =	simm.s32 @!p0 $0x0;
	s7 =	ssub.s32 $0xC8000, s4;
	(pc) =	sbr.rel .LBB2_1-.Ltmp0, $4  }
0x9: {  	s9 =	simm.s32 @!p0 $0x0;
	p0 =	sne.s32 s7, s6;
	s7 =	simm.s32 $0x1  }
0xa: {  	s8 =	sadd.s32 $0x19A00, s8;
	s6 =	simm.s32 $0x2;
	s7 =	simm.s32 @!p0 $0x0  }
0xb: {  	s11 =	smov.u32 s4;
	[sflag:s6] =	ssyncpa.u1 $0x0;
	s7 =	sadd.s32 s9, s7  }
0xc: {  	vm0 =	vmmov $0xffff;
	[sflag:s10] =	ssyncpa.u1 $0x0;
	s10 =	simm.s32 $0x0;
	s9 =	sadd.s32 $0x1, s7  }
.LBB2_4:
0xd: {  	v2 =	vnsel vm1, $0x0, v2  }
0xe: {  	vm1 =	vgt.s32 v0, $0x0;
	v2 =	vmin.u32 v2, $0xC7FFF  }
0xf: {  	v0 =	vnsel vm1, $0x0, v0  }
0x10: {  	v0 =	vmin.u32 v0, $0xC7FFF  }
0x11: {  	[tilespmem:s18], [sflag:$0x1] =	stream.indirect_vreg.gather [hbm4b:s2+s10], $0x1, v1, vm0, $0x4038;
	[tilespmem:$0x14000] =	vst v63  }
0x12: {  	(ifvalue) =	ssetifvalue $0x7FFFFFFF  }
0x13: {  	[tilespmem:s15], [sflag:$0x1] =	stream.indirect_vreg.gather [hbm4b:s2+s10], $0x1, v2, vm0, $0x4038;
	[tilespmem:$0x14000] =	vst v63  }
0x14: {  	s29 =	sadd.s32 $0x10, s15;
	(ifvalue) =	ssetifvalue $0x7FFFFFFF  }
0x15: {  	[tilespmem:s29], [sflag:$0x1] =	stream.indirect_vreg.gather [hbm4b:s2+s10], $0x1, v0, vm0, $0x4038;
	[tilespmem:$0x14000] =	vst v63  }
0x16: {  	_ =	swait.ge [sflag:s5], $0x5000  }
0x17: {  	s30 =	sshrl.u32 s13, $0x3;
	[sflag:s5] =	ssyncset.done $0x0  }
0x18: {  	s31 =	sand.u32 $0x7, s13;
	s15 =	sadd.s32 s8, s30;
	[sflag:s5] =	ssyncadd.s32 $0xFFFFB000  }
0x19: {  	[hbm4b:s15+s31] =	stream.linear.scatter [tilespmem:s14], [sflag:$0x3], $0x5000, $0x38;
	[tilespmem:$0x14000] =	vst v63  }
.LBB2_5:
0x1a: {  	s15 =	sadd.s32 $0xA0000, s11  }
0x1b: {  	p1 =	sgt.s32 s15, $0xC7FFF  }
0x1c: {  	s15 =	smov.u32 @p1 s4;
	p1 =	sne.s32 s12, s9  }
.Ltmp1:
0x1d: {  	p0 =	slt.u32 s12, $0x2;
	(pc) =	sbr.rel @!p1 .LBB2_6-.Ltmp1, $4  }
0x1e: {  	s14 =	simm.s32 @!p0 $0x3  }
0x1f: {  	_ =	swait.ge @!p0 [sflag:s14], $0x5000  }
0x20: {  	s16 =	sadd.s32 $0x1, s12;
	s13 =	smov.u32 s11;
	[sflag:s14] =	ssyncset.done @!p0 $0x0  }
0x21: {  	s12 =	smov.u32 s16;
	s11 =	smov.u32 s15;
	[sflag:s14] =	ssyncadd.s32 @!p0 $0xFFFFB000  }
.LBB2_1:
0x22: {  	p0 =	sge.u32 s12, s7  }
0x23: {  	s14 =	sxor.u32 @!p0 $0x1, s12  }
0x24: {  	s14 =	smul.u32 @!p0 $0x14000, s14  }
0x25: {  	s31 =	sadd.s32 $0xFFFFFFFF, s12;
	s15 =	sshrl.u32 @!p0 s11, $0x3  }
0x26: {  	s16 =	sand.u32 @!p0 $0x7, s11;
	s15 =	sadd.s32 @!p0 s3, s15;
	s14 =	sshra.s32 @!p0 s14, $0x2  }
0x27: {  	[tilespmem:s14], [sflag:$0x2] =	stream.linear.gather @!p0 [hbm4b:s15+s16], $0x5000, $0x38;
	[tilespmem:$0x14000] =	vst v63  }
0x28: {  	p0 =	sge.u32 s31, s7  }
.Ltmp2:
0x29: {  	_ = 	snop;
	(pc) =	sbr.rel @p0 .LBB2_5-.Ltmp2, $1  }
0x2a: {  	_ =	sdelay $0x3  }
0x2b: {  	s14 =	sand.u32 $0x1, s12  }
0x2c: {  	_ =	swait.ge [sflag:s6], $0x5000;
	p0 =	seq.s32 s14, $0x1;
	s14 =	simm.s32 $0x5000  }
0x2d: {  	[sflag:s6] =	ssyncset.done $0x0;
	s14 =	simm.s32 @!p0 $0x0  }
0x2e: {  	[sflag:s6] =	ssyncadd.s32 $0xFFFFB000;
	(ifvalue) =	ssetifvalue $0x7FFFFFFF;
	v0 =	vld.msk [tilespmem:s14+$0x0 ss:$0x1], $0xffff;
	_ =	sdelay $0x4  }
0x2f: {  	s15 =	sadd.s32 $0x10, s14;
	vm1 =	vgt.s32 v0, $0x0  }
0x30: {  	v2 =	vld.msk [tilespmem:s15+$0x0 ss:$0x1], $0xffff;
	v1 =	vnsel vm1, $0x0, v0  }
0x31: {  	v1 =	vmin.u32 v1, $0xC7FFF;
	_ =	sdelay $0x2  }
0x32: {  	s17 =	simm.s32 $0x20;
	s14 =	sor.u32 $0xA000, s14;
	s16 =	sadd.s32 $0x10, s15  }
0x33: {  	s15 =	sadd.s32 $0x10, s14;
	s18 =	smov.u32 s14;
	v0 =	vld.msk [tilespmem:s16+$0x0 ss:$0x1], $0xffff;
	vm1 =	vgt.s32 v2, $0x0;
	(ifvalue) =	ssetifvalue $0x7FFFFFFF  }
.LBB2_3:
0x34: {  	[tilespmem:s18], [sflag:$0x1] =	stream.indirect_vreg.gather [hbm4b:s2+s10], $0x1, v1, vm0, $0x4038;
	[tilespmem:$0x14000] =	vst v63  }
0x35: {  	s17 =	sadd.s32 $0x10, s17  }
0x36: {  	v2 =	vnsel vm1, $0x0, v2;
	p0 =	slt.u32 s17, $0x4FF0  }
.Ltmp3:
0x37: {  	s18 =	smov.u32 s15;
	v1 =	vmin.u32 v2, $0xC7FFF;
	(pc) =	sbr.rel @p0 .LBB2_3-.Ltmp3, $3  }
0x38: {  	_ =	sdelay $0x1  }
0x39: {  	s16 =	sadd.s32 $0x10, s16  }
0x3a: {  	vm1 =	vgt.s32 v0, $0x0;
	s15 =	sadd.s32 $0x10, s15;
	v2 =	vmov v0;
	(ifvalue) =	ssetifvalue $0x7FFFFFFF;
	v0 =	vld.msk [tilespmem:s16+$0x0 ss:$0x1], $0xffff  }
.Ltmp4:
0x3b: {  	_ = 	snop;
	(pc) =	sbr.rel .LBB2_4-.Ltmp4, $1  }
0x3c: {  	_ =	sdelay $0x3  }
.LBB2_6:
0x3d: {  	_ =	sfence.sel $0x180000  }
0x3e: {  	s2 =	simm.s32 $0x2;
	[bflag:$0x0] =	sbarrier.arrive $0xFFFF  }
0x3f: {  	s30 =	simm.s32 $0x3;
	[sflag:s2] =	ssyncpa.u1 $0x1  }
0x40: {  	s31 =	simm.s32 $0x1;
	[sflag:s30] =	ssyncpa.u1 $0x1  }
0x41: {  	[sflag:s31] =	ssyncpa.u1 $0x1  }
0x42: {  	p0 =	sne.s32 s0, $0x0;
	_ =	strace $0x90000047  }
0x43: {  	s0 =	sadd.s32 @!p0 $0x100000, s1;
	[bflag:$0x2] =	sbarrier.arrive $0xFFFF  }
0x44: {  	[sflag:s0] =	ssyncadd.tile.s32 @!p0 $0x1;
	_ =	shalt  }
.Lfunc_end2:
_tile_overlayer_lowered:
.L_overlay_start_2:
0x45: {  	(tag) =	ssettag $0x2  }
0x46: {  	s0 =	rddreg [dreg:$0x0];
	s2 =	stileid.u32  }
0x47: {  	s1 =	rddreg [dreg:$0x1];
	p0 =	sne.s32 s2, $0x0  }
0x48: {  	s3 =	rddreg [dreg:$0x2];
	[bflag:$0x3] =	sbarrier.arrive $0xFFFF;
	s2 =	simm.s32 @!p0 $0x1C01  }
0x49: {  	[timem:s3], [sflag:s2] =	dma.local @!p0 [hbm:s0], s1  }
0x4a: {  	s0 =	simm.s32 @!p0 $0x1  }
0x4b: {  	_ =	swait.ge @!p0 [sflag:s0], s1  }
0x4c: {  	s1 =	ssub.s32 @!p0 $0x0, s1;
	[sflag:s0] =	ssyncset.done @!p0 $0x0  }
0x4d: {  	[sflag:s0] =	ssyncadd.s32 @!p0 s1  }
0x4e: {  	[bflag:$0x3] =	sbarrier.arrive $0xFFFF  }
0x4f: {  	_ =	shalt  }

// kernel: kernel.5.cloned.1.call-start
scs
__scs_entry_jumppad:
0x0: {  	(pc) =	sbr.rel $0x88, $3  }
0x1: {  	(tag) =	ssettag $0x0;
	lr =	simm.s32 $0x1  }
0x2: {  	[smem:$0x3F9F] =	sst lr;
	_ =	strace $0xD0000000  }
0x3: {  	_ = 	snop  }
0x4: {  	_ = 	snop  }
0x5: {  	_ = 	snop  }
0x6: {  	_ = 	snop  }
0x7: {  	_ = 	snop  }
__scs_overlays_trampoline_lowered:
0x8: {  	[smem:$0x3FAE] =	sst s0  }
0x9: {  	[smem:$0x3FAF] =	sst s1  }
0xa: {  	[smem:$0x3FB0] =	sst s2  }
0xb: {  	[smem:$0x3FB1] =	sst s3  }
0xc: {  	[smem:$0x3FB2] =	sst s4  }
0xd: {  	[smem:$0x3FB3] =	sst s5  }
0xe: {  	[smem:$0x3FB4] =	sst s6  }
0xf: {  	[smem:$0x3FB5] =	sst s7  }
0x10: {  	[smem:$0x3FB6] =	sst s8  }
0x11: {  	[smem:$0x3FB7] =	sst s9;
	s0 =	simm.s32 @!p0 $0x0  }
0x12: {  	s1 =	sld [smem:$0x3F9D];
	s0 =	simm.s32 @p0 $0x1  }
0x13: {  	[smem:$0x3FB8] =	sst s0;
	s0 =	simm.s32 @!p1 $0x0  }
0x14: {  	s2 =	sld [smem:$0x3F9C];
	s0 =	simm.s32 @p1 $0x1  }
0x15: {  	[smem:$0x3FB9] =	sst s0;
	s0 =	simm.s32 @!p2 $0x0  }
0x16: {  	s3 =	sld [smem:$0x3FDB];
	s0 =	simm.s32 @p2 $0x1  }
0x17: {  	s4 =	simm.s32 $0x1BF5;
	[smem:$0x3FBB] =	sst s0  }
0x18: {  	s0 =	sld [smem:$0x3F9E];
	_ =	swait.ge [sflag:s4], $0x0  }
0x19: {  	s7 =	sld [smem:$0x3F9F]  }
0x1a: {  	s8 =	sadd.s32 $0xFFFFE003, lr  }
0x1b: {  	s9 =	sadd.s32 $0xFFFFFEF7, lr;
	s5 =	simm.s32 $0xFFFFFFFF;
	p2 =	slt.u32 s8, $0xFFFFF086  }
0x1c: {  	p1 =	slt.u32 s9, $0xF7A;
	s5 =	simm.s32 @!p2 $0x0  }
0x1d: {  	s5 =	simm.s32 @p1 $0x1;
	p0 =	seq.s32 s7, s2  }
0x1e: {  	s7 =	smul.u32 @!p0 $0xF7A, s2;
	p2 =	seq.s32 @!p0 s5, $0x0  }
0x1f: {  	s9 =	smul.u32 $0xF7A, s1;
	s8 =	simm.s32 @!p0 $0x1BF5;
	p2 =	por !p2, p0  }
0x20: {  	[sflag:s8] =	ssyncset.s32 @!p0 $0xFFFFF086;
	s6 =	sadd.s32 @!p0 s3, s7;
	s7 =	simm.s32 @!p0 $0x108  }
0x21: {  	s3 =	sadd.s32 s3, s9;
	s6 =	sadd.s32 @!p0 $0x88, s6;
	s7 =	simm.s32 @p2 $0x1082  }
0x22: {  	[simem:s7], [sflag:s8] =	dma.local @!p0 [hbm:s6], $0xF7A  }
0x23: {  	s9 =	sor.u32 $0xD0000000, s2;
	s6 =	simm.s32 $0x108;
	_ =	swait.ge @!p0 [sflag:s8], $0x0  }
0x24: {  	s3 =	sadd.s32 $0x88, s3;
	s6 =	simm.s32 @!p1 $0x1082;
	[sflag:s4] =	ssyncset.s32 $0xFFFFF086  }
0x25: {  	[simem:s6], [sflag:s4] =	dma.local [hbm:s3], $0xF7A  }
0x26: {  	[smem:$0x3F9F] =	sst s1;
	(tag) =	ssettag s2;
	_ =	strace s9  }
0x27: {  	s1 =	sld [smem:$0x3FAF]  }
0x28: {  	s2 =	sld [smem:$0x3FB0]  }
0x29: {  	s4 =	sld [smem:$0x3FB2]  }
0x2a: {  	p0 =	seq.s32 s5, $0x0;
	s5 =	sld [smem:$0x3FB3]  }
0x2b: {  	s6 =	sld [smem:$0x3FB4]  }
0x2c: {  	s7 =	sld [smem:$0x3FB5]  }
0x2d: {  	s3 =	simm.s32 $0x108;
	s8 =	sld [smem:$0x3FB6]  }
0x2e: {  	s3 =	simm.s32 @!p0 $0x1082;
	s9 =	sld [smem:$0x3FB7]  }
0x2f: {  	lr =	sadd.s32 s0, s3;
	s0 =	sld [smem:$0x3FAE]  }
0x30: {  	s3 =	sld [smem:$0x3FB1]  }
0x31: {  	[smem:$0x3FBA] =	sst s10  }
0x32: {  	s10 =	sld [smem:$0x3FB8];
	_ =	sdelay $0x3  }
0x33: {  	p0 =	seq.s32 s10, $0x1;
	s10 =	sld [smem:$0x3FBA];
	_ =	sdelay $0x3  }
0x34: {  	[smem:$0x3FBA] =	sst s10  }
0x35: {  	s10 =	sld [smem:$0x3FB9];
	_ =	sdelay $0x3  }
0x36: {  	p1 =	seq.s32 s10, $0x1;
	s10 =	sld [smem:$0x3FBA];
	_ =	sdelay $0x3  }
0x37: {  	[smem:$0x3FBA] =	sst s10  }
0x38: {  	s10 =	sld [smem:$0x3FBB]  }
0x39: {  	_ = 	snop;
	(pc) =	sbr.ind lr, $3  }
0x3a: {  	_ = 	snop  }
0x3b: {  	_ = 	snop  }
0x3c: {  	p2 =	seq.s32 s10, $0x1;
	s10 =	sld [smem:$0x3FBA]  }
0x3d: {  	_ =	shalt  }
0x3e: {  	_ =	shalt  }
0x3f: {  	_ =	shalt  }
0x40: {  	_ =	shalt  }
0x41: {  	_ =	shalt  }
0x42: {  	_ =	shalt  }
0x43: {  	_ =	shalt  }
0x44: {  	_ =	shalt  }
0x45: {  	_ =	shalt  }
0x46: {  	_ =	shalt  }
0x47: {  	_ =	shalt  }
0x48: {  	_ =	shalt  }
0x49: {  	_ =	shalt  }
0x4a: {  	_ =	shalt  }
0x4b: {  	_ =	shalt  }
0x4c: {  	_ =	shalt  }
0x4d: {  	_ =	shalt  }
0x4e: {  	_ =	shalt  }
0x4f: {  	_ =	shalt  }
0x50: {  	_ =	shalt  }
0x51: {  	_ =	shalt  }
0x52: {  	_ =	shalt  }
0x53: {  	_ =	shalt  }
0x54: {  	_ =	shalt  }
0x55: {  	_ =	shalt  }
0x56: {  	_ =	shalt  }
0x57: {  	_ =	shalt  }
0x58: {  	_ =	shalt  }
0x59: {  	_ =	shalt  }
0x5a: {  	_ =	shalt  }
0x5b: {  	_ =	shalt  }
0x5c: {  	_ =	shalt  }
0x5d: {  	_ =	shalt  }
0x5e: {  	_ =	shalt  }
0x5f: {  	_ =	shalt  }
0x60: {  	_ =	shalt  }
0x61: {  	_ =	shalt  }
0x62: {  	_ =	shalt  }
0x63: {  	_ =	shalt  }
0x64: {  	_ =	shalt  }
0x65: {  	_ =	shalt  }
0x66: {  	_ =	shalt  }
0x67: {  	_ =	shalt  }
0x68: {  	_ =	shalt  }
0x69: {  	_ =	shalt  }
0x6a: {  	_ =	shalt  }
0x6b: {  	_ =	shalt  }
0x6c: {  	_ =	shalt  }
0x6d: {  	_ =	shalt  }
0x6e: {  	_ =	shalt  }
0x6f: {  	_ =	shalt  }
0x70: {  	_ =	shalt  }
0x71: {  	_ =	shalt  }
0x72: {  	_ =	shalt  }
0x73: {  	_ =	shalt  }
0x74: {  	_ =	shalt  }
0x75: {  	_ =	shalt  }
0x76: {  	_ =	shalt  }
0x77: {  	_ =	shalt  }
0x78: {  	_ =	shalt  }
0x79: {  	_ =	shalt  }
0x7a: {  	_ =	shalt  }
0x7b: {  	_ =	shalt  }
0x7c: {  	_ =	shalt  }
0x7d: {  	_ =	shalt  }
0x7e: {  	_ =	shalt  }
0x7f: {  	_ =	shalt  }
0x80: {  	_ =	shalt  }
0x81: {  	_ =	shalt  }
0x82: {  	_ =	shalt  }
0x83: {  	_ =	shalt  }
0x84: {  	_ =	shalt  }
0x85: {  	_ =	shalt  }
0x86: {  	_ =	shalt  }
0x87: {  	_ =	shalt  }
.Lfunc_end0:
.L_simem_size_0:
called_computation.1_lowered:
.L_overlay_start_0:
0x88: {  	s2 =	sld [smem:$0x3FD9]  }
0x89: {  	s3 =	sld [smem:$0x3FFE];
	_ =	sdelay $0x1  }
0x8a: {  	s1 =	srdreg.scid  }
0x8b: {  	s0 =	sand.u32 $0x1, s1  }
0x8c: {  	s17 =	sshll.u32 s0, $0xA;
	s2 =	sadd.s32 s3, s2  }
0x8d: {  	s2 =	sadd.s32 s2, s17  }
0x8e: {  	[smem:$0x3FC6] =	sst s2  }
0x8f: {  	_ = 	snop  }
0x90: {  	s2 =	sld [smem:$0x3FD0];
	(tm) =	ssettm $0x1  }
0x91: {  	s18 =	sld [smem:$0x3FFB];
	_ =	sdelay $0x3  }
0x92: {  	_ =	strace s18  }
0x93: {  	s3 =	sld [smem:$0x3FFC];
	_ =	sdelay $0x3  }
0x94: {  	_ =	strace s3  }
0x95: {  	s3 =	sld [smem:$0x3FFD];
	_ =	sdelay $0x3  }
0x96: {  	_ =	strace s3  }
0x97: {  	_ =	strace $0x8FFFFFFF  }
0x98: {  	s19 =	sld [smem:$0x3FDB];
	_ =	sdelay $0x1  }
0x99: {  	s4 =	simm.s32 $_scs_section_size  }
0x9a: {  	s5 =	simm.s32 $_size__tile_overlayer_lowered;
	s6 =	simm.s32 $_tile_overlayer_lowered  }
0x9b: {  	s22 =	simm.s32 $0x1BFF;
	s21 =	sshll.u32 s6, $0x1;
	s3 =	sadd.s32 s4, s19  }
0x9c: {  	s7 =	simm.s32 $0x0;
	s20 =	sshll.u32 s5, $0x1;
	s5 =	sadd.s32 s21, s3  }
0x9d: {  	[timem:s7], [sflag:s22] =	dma.local [hbm:s5], s20  }
0x9e: {  	_ =	swait.ge [sflag:s22], s20  }
0x9f: {  	s4 =	ssub.s32 $0x0, s20;
	[sflag:s22] =	ssyncset.done $0x0  }
0xa0: {  	[sflag:s22] =	ssyncadd.s32 s4;
	_ =	sdelay $0x1  }
0xa1: {  	s23 =	simm.s32 $0x1B8B  }
0xa2: {  	_ =	swait.ge [sflag:s23], $0x1  }
0xa3: {  	[sflag:s23] =	ssyncset.done $0x0  }
0xa4: {  	s25 =	simm.s32 $0x1B8E;
	s24 =	sld [smem:$0x3FFE];
	[sflag:s23] =	ssyncadd.s32 $0xFFFFFFFF  }
0xa5: {  	s26 =	simm.s32 $execute0_lowered;
	[smem:$0x3FD2] =	sst s25  }
0xa6: {  	s5 =	sshll.u32 s26, $0x1;
	_ =	strace $0x80000049;
	[dreg:$0x1] =	wrdreg $0xFFFFFFFF  }
0xa7: {  	s28 =	simm.s32 $_size_execute0_lowered;
	s3 =	sadd.s32 s3, s5;
	[dreg:$0x0] =	wrdreg $0x0  }
0xa8: {  	s5 =	sshll.u32 s28, $0x1;
	[dreg:$0x2] =	wrdreg s3  }
0xa9: {  	[dreg:$0x3] =	wrdreg s5  }
0xaa: {  	[dreg:$0x4] =	wrdreg $0xC0  }
0xab: {  	_ =	task [dreg:s7], $0x5FFFF  }
0xac: {  	[dreg:$0x1] =	wrdreg $0xFFFFFFFF  }
0xad: {  	[dreg:$0x0] =	wrdreg $0x60  }
0xae: {  	[dreg:$0x2] =	wrdreg s24  }
0xaf: {  	[dreg:$0x3] =	wrdreg s2  }
0xb0: {  	[dreg:$0x4] =	wrdreg $0x9  }
0xb1: {  	_ =	task.clear_ibuf [dreg:s7], $0x5FFFF;
	_ =	strace $0x90000049  }
0xb2: {  	s29 =	simm.s32 $0x9;
	_ =	strace $0x8000004B  }
0xb3: {  	_ =	swait.ge [sflag:s29], $0x1  }
0xb4: {  	[sflag:s29] =	ssyncadd.s32 $0xFFFFFFFF  }
0xb5: {  	_ =	strace $0x9000004B  }
0xb6: {  	_ =	sfence  }
0xb7: {  	s30 =	sld [smem:$0x0];
	_ =	sdelay $0x2  }
0xb8: {  	s31 =	sshll.u32 s1, $0xD;
	s1 =	sshrl.u32 s1, $0x2  }
0xb9: {  	s3 =	sand.u32 $0x4000, s31;
	s1 =	sadd.s32 s1, s30  }
0xba: {  	s0 =	sor.u32 s3, s0;
	s1 =	sshll.u32 s1, $0x11  }
0xbb: {  	s0 =	sor.u32 s1, s0  }
0xbc: {  	s0 =	sadd.s32 $0x8F2B, s0  }
0xbd: {  	[sflag:s0] =	ssyncadd.remote.s32 $0x1  }
0xbe: {  	_ =	sfence.sel $0xFFFF  }
0xbf: {  	[dreg:$0x0] =	wrdreg $0xFFFFFFFF;
	(pc) =	sbr.abs _section_cstart, $3  }
0xc0: {  	[dreg:$0x1] =	wrdreg $0xFFFFFFFF  }
0xc1: {  	_ =	task.clear_ibuf [dreg:s7], $0x2FFFF;
	_ =	strace $0x9FFFFFFF  }
0xc2: {  	(tm) =	ssettm $0x7FFFFFFF  }
0xc3: {  	_ =	shalt  }
tec
execute0_lowered:
.L_overlay_start_1:
0x0: {  	(tag) =	ssettag $0x1  }
0x1: {  	s4 =	rddreg [dreg:$0x0]  }
0x2: {  	s6 =	rddreg [dreg:$0x1]  }
0x3: {  	s0 =	rddreg [dreg:$0x2]  }
0x4: {  	s3 =	srdreg.scid;
	s1 =	stileid.u32;
	s2 =	simm.s32 $0x0  }
0x5: {  	s13 =	simm.s32 $0xC400;
	s14 =	simm.s32 $0xE400;
	s15 =	simm.s32 $0x10400  }
0x6: {  	s16 =	simm.s32 $0x12400;
	s17 =	simm.s32 $0x14400;
	s18 =	simm.s32 $0x1  }
0x7: {  	s19 =	simm.s32 $0x2;
	s20 =	simm.s32 $0x3;
	s21 =	simm.s32 $0x4  }
0x8: {  	s22 =	simm.s32 $0x0;
	s7 =	sand.u32 $0x1, s3;
	s5 =	smul.u32 $0x190, s1  }
0x9: {  	[smem:$0x7FF] =	sst s2;
	s3 =	sadd.s32 $0x32A00, s4;
	s12 =	smul.u32 $0x64000, s1  }
0xa: {  	s4 =	sadd.s32 $0xF74E00, s4;
	s10 =	sshll.u32 s1, $0x1;
	s8 =	smul.u32 $0xC8, s7  }
0xb: {  	s9 =	ssub.s32 $0x2, s7;
	s10 =	sor.u32 s7, s10;
	s7 =	smul.u32 $0x32000, s7  }
0xc: {  	_ =	strace $0x8000004A;
	s28 =	sshrl.u32 s9, $0x1;
	s10 =	smul.u32 $0xC80, s10  }
0xd: {  	s5 =	sadd.s32 s8, s5;
	s8 =	ssub.s32 s9, s28;
	s31 =	sadd.s32 s7, s12  }
0xe: {  	s9 =	simm.s32 $0x80;
	s12 =	simm.s32 $0xA400;
	s5 =	sshll.u32 s5, $0xA  }
0xf: {  	s6 =	sadd.s32 s6, s10;
	[dreg:$0x6] =	wrdreg s31;
	s11 =	sor.u32 $0x1800, s5  }
0x10: {  	s7 =	smax.u32 s8, $0x1;
	s29 =	sor.u32 $0x1000, s5;
	[dreg:$0x3] =	wrdreg s11  }
0x11: {  	s8 =	simm.s32 $0x5;
	s30 =	sor.u32 $0x800, s5;
	[dreg:$0x4] =	wrdreg s29  }
0x12: {  	s10 =	simm.s32 $0x6400;
	[dreg:$0x5] =	wrdreg s30;
	s11 =	simm.s32 $0x8400  }
.LBB2_1:
0x13: {  	[tilespmem:s2], [sflag:$0x5] =	stream.linear.gather [hbm4b:s6+s2], $0x6400, $0x38;
	[tilespmem:$0x16400] =	vst v63  }
0x14: {  	p0 =	por $0x1, $0x1;
	_ =	swait.ge [sflag:s8], $0x6400  }
0x15: {  	p0 =	por p0, p0;
	[sflag:s8] =	ssyncset.done $0x0  }
0x16: {  	s23 =	simm.s32 @!p0 $0x3;
	[sflag:s8] =	ssyncadd.s32 $0xFFFF9C00  }
0x17: {  	_ =	swait.ge @!p0 [sflag:s23], $0x2000  }
0x18: {  	[sflag:s23] =	ssyncset.done @!p0 $0x0  }
0x19: {  	[sflag:s23] =	ssyncadd.s32 @!p0 $0xFFFFE000  }
0x1a: {  	_ =	swait.ge @!p0 [sflag:s23], $0x2000  }
0x1b: {  	[sflag:s23] =	ssyncset.done @!p0 $0x0  }
0x1c: {  	[sflag:s23] =	ssyncadd.s32 @!p0 $0xFFFFE000  }
0x1d: {  	_ =	swait.ge @!p0 [sflag:s23], $0x2000  }
0x1e: {  	[sflag:s23] =	ssyncset.done @!p0 $0x0  }
0x1f: {  	[sflag:s23] =	ssyncadd.s32 @!p0 $0xFFFFE000  }
0x20: {  	_ =	swait.ge @!p0 [sflag:s23], $0x2000  }
0x21: {  	[sflag:s23] =	ssyncset.done @!p0 $0x0  }
0x22: {  	s28 =	simm.s32 $0x0;
	[sflag:s23] =	ssyncadd.s32 @!p0 $0xFFFFE000  }
0x23: {  	[tilespmem:s10], [sflag:$0x1] =	stream.indirect.gather [hbm4b:s3+s9], $0x40, s28, s9, $0xb8;
	[tilespmem:$0x16400] =	vst v63  }
0x24: {  	s29 =	simm.s32 $0x80  }
0x25: {  	[tilespmem:s11], [sflag:$0x1] =	stream.indirect.gather [hbm4b:s3+s9], $0x40, s29, s9, $0xb8;
	[tilespmem:$0x16400] =	vst v63  }
0x26: {  	s30 =	simm.s32 $0x100  }
0x27: {  	[tilespmem:s12], [sflag:$0x1] =	stream.indirect.gather [hbm4b:s3+s9], $0x40, s30, s9, $0xb8;
	[tilespmem:$0x16400] =	vst v63  }
0x28: {  	s31 =	simm.s32 $0x180;
	s24 =	simm.s32 @!p0 $0x4  }
0x29: {  	[tilespmem:s13], [sflag:$0x1] =	stream.indirect.gather [hbm4b:s3+s9], $0x40, s31, s9, $0xb8;
	[tilespmem:$0x16400] =	vst v63  }
0x2a: {  	_ =	swait.ge @!p0 [sflag:s24], $0x2000  }
0x2b: {  	[sflag:s24] =	ssyncset.done @!p0 $0x0  }
0x2c: {  	[sflag:s24] =	ssyncadd.s32 @!p0 $0xFFFFE000  }
0x2d: {  	_ =	swait.ge @!p0 [sflag:s24], $0x2000  }
0x2e: {  	[sflag:s24] =	ssyncset.done @!p0 $0x0  }
0x2f: {  	[sflag:s24] =	ssyncadd.s32 @!p0 $0xFFFFE000  }
0x30: {  	_ =	swait.ge @!p0 [sflag:s24], $0x2000  }
0x31: {  	[sflag:s24] =	ssyncset.done @!p0 $0x0  }
0x32: {  	[sflag:s24] =	ssyncadd.s32 @!p0 $0xFFFFE000  }
0x33: {  	_ =	swait.ge @!p0 [sflag:s24], $0x2000  }
0x34: {  	[sflag:s24] =	ssyncset.done @!p0 $0x0  }
0x35: {  	[sflag:s24] =	ssyncadd.s32 @!p0 $0xFFFFE000;
	s24 =	simm.s32 $0x200  }
0x36: {  	[tilespmem:s14], [sflag:$0x2] =	stream.indirect.gather [hbm4b:s3+s9], $0x40, s24, s9, $0xb8;
	[tilespmem:$0x16400] =	vst v63  }
0x37: {  	s25 =	simm.s32 $0x280  }
0x38: {  	[tilespmem:s15], [sflag:$0x2] =	stream.indirect.gather [hbm4b:s3+s9], $0x40, s25, s9, $0xb8;
	[tilespmem:$0x16400] =	vst v63  }
0x39: {  	s26 =	simm.s32 $0x300  }
0x3a: {  	[tilespmem:s16], [sflag:$0x2] =	stream.indirect.gather [hbm4b:s3+s9], $0x40, s26, s9, $0xb8;
	[tilespmem:$0x16400] =	vst v63  }
0x3b: {  	s28 =	simm.s32 $0x380  }
0x3c: {  	[tilespmem:s17], [sflag:$0x2] =	stream.indirect.gather [hbm4b:s3+s9], $0x40, s28, s9, $0xb8;
	[tilespmem:$0x16400] =	vst v63  }
0x3d: {  	_ =	swait.ge [sflag:s18], $0x2000  }
0x3e: {  	[sflag:s18] =	ssyncset.done $0x0  }
0x3f: {  	[sflag:s18] =	ssyncadd.s32 $0xFFFFE000  }
0x40: {  	_ =	swait.ge [sflag:s18], $0x2000  }
0x41: {  	[sflag:s18] =	ssyncset.done $0x0  }
0x42: {  	[sflag:s18] =	ssyncadd.s32 $0xFFFFE000  }
0x43: {  	_ =	swait.ge [sflag:s18], $0x2000  }
0x44: {  	[sflag:s18] =	ssyncset.done $0x0  }
0x45: {  	[sflag:s18] =	ssyncadd.s32 $0xFFFFE000  }
0x46: {  	_ =	swait.ge [sflag:s18], $0x2000  }
0x47: {  	s29 =	rddreg [dreg:$0x6];
	[sflag:s18] =	ssyncset.done $0x0  }
0x48: {  	s26 =	sadd.s32 s4, s5;
	[sflag:s18] =	ssyncadd.s32 $0xFFFFE000;
	s23 =	sadd.s32 s4, s29  }
0x49: {  	[hbm4b:s23+s2] =	stream.linear.scatter [tilespmem:s10], [sflag:$0x3], $0x2000, $0x38;
	[tilespmem:$0x16400] =	vst v63  }
0x4a: {  	s31 =	sadd.s32 $0x400, s26;
	s30 =	rddreg [dreg:$0x5]  }
0x4b: {  	[hbm4b:s31+s2] =	stream.linear.scatter [tilespmem:s11], [sflag:$0x3], $0x2000, $0x38;
	[tilespmem:$0x16400] =	vst v63  }
0x4c: {  	s24 =	sadd.s32 s4, s30  }
0x4d: {  	[hbm4b:s24+s2] =	stream.linear.scatter [tilespmem:s12], [sflag:$0x3], $0x2000, $0x38;
	[tilespmem:$0x16400] =	vst v63  }
0x4e: {  	s25 =	sadd.s32 $0xC00, s26  }
0x4f: {  	[hbm4b:s25+s2] =	stream.linear.scatter [tilespmem:s13], [sflag:$0x3], $0x2000, $0x38;
	[tilespmem:$0x16400] =	vst v63  }
0x50: {  	_ =	swait.ge [sflag:s19], $0x2000  }
0x51: {  	[sflag:s19] =	ssyncset.done $0x0  }
0x52: {  	[sflag:s19] =	ssyncadd.s32 $0xFFFFE000  }
0x53: {  	_ =	swait.ge [sflag:s19], $0x2000  }
0x54: {  	[sflag:s19] =	ssyncset.done $0x0  }
0x55: {  	[sflag:s19] =	ssyncadd.s32 $0xFFFFE000  }
0x56: {  	_ =	swait.ge [sflag:s19], $0x2000  }
0x57: {  	[sflag:s19] =	ssyncset.done $0x0  }
0x58: {  	[sflag:s19] =	ssyncadd.s32 $0xFFFFE000  }
0x59: {  	p6 =	por $0x0, $0x0;
	_ =	swait.ge [sflag:s19], $0x2000  }
0x5a: {  	p0 =	por p6, p6;
	s28 =	rddreg [dreg:$0x4];
	[sflag:s19] =	ssyncset.done $0x0  }
0x5b: {  	s30 =	sadd.s32 $0x1400, s26;
	[sflag:s19] =	ssyncadd.s32 $0xFFFFE000;
	s23 =	sadd.s32 s4, s28  }
0x5c: {  	[hbm4b:s23+s2] =	stream.linear.scatter [tilespmem:s14], [sflag:$0x4], $0x2000, $0x38;
	[tilespmem:$0x16400] =	vst v63  }
0x5d: {  	s26 =	sadd.s32 $0x1C00, s26;
	s24 =	simm.s32 $0x1000;
	s29 =	rddreg [dreg:$0x3]  }
0x5e: {  	[hbm4b:s30+s2] =	stream.linear.scatter [tilespmem:s15], [sflag:$0x4], $0x2000, $0x38;
	[tilespmem:$0x16400] =	vst v63  }
0x5f: {  	s25 =	simm.s32 $0x2000;
	s31 =	sadd.s32 s4, s29;
	s23 =	sadd.s32 $0x2000, s4  }
0x60: {  	[hbm4b:s31+s2] =	stream.linear.scatter [tilespmem:s16], [sflag:$0x4], $0x2000, $0x38;
	[tilespmem:$0x16400] =	vst v63  }
.LBB2_2:
0x61: {  	[hbm4b:s26+s2] =	stream.linear.scatter [tilespmem:s17], [sflag:$0x4], $0x2000, $0x38;
	[tilespmem:$0x16400] =	vst v63  }
0x62: {  	s28 =	simm.s32 @!p0 $0x3  }
0x63: {  	_ =	swait.ge @!p0 [sflag:s28], $0x2000  }
0x64: {  	[sflag:s28] =	ssyncset.done @!p0 $0x0  }
0x65: {  	[sflag:s28] =	ssyncadd.s32 @!p0 $0xFFFFE000  }
0x66: {  	_ =	swait.ge @!p0 [sflag:s28], $0x2000  }
0x67: {  	[sflag:s28] =	ssyncset.done @!p0 $0x0  }
0x68: {  	[sflag:s28] =	ssyncadd.s32 @!p0 $0xFFFFE000  }
0x69: {  	_ =	swait.ge @!p0 [sflag:s28], $0x2000  }
0x6a: {  	[sflag:s28] =	ssyncset.done @!p0 $0x0  }
0x6b: {  	[sflag:s28] =	ssyncadd.s32 @!p0 $0xFFFFE000  }
0x6c: {  	_ =	swait.ge @!p0 [sflag:s28], $0x2000  }
0x6d: {  	[sflag:s28] =	ssyncset.done @!p0 $0x0  }
0x6e: {  	[sflag:s28] =	ssyncadd.s32 @!p0 $0xFFFFE000;
	s28 =	sshra.s32 s24, $0x2  }
0x6f: {  	[tilespmem:s10], [sflag:$0x1] =	stream.indirect.gather [hbm4b:s3+s9], $0x40, s28, s9, $0xb8;
	[tilespmem:$0x16400] =	vst v63  }
0x70: {  	s31 =	smov.u32 s25;
	s29 =	sadd.s32 $0x80, s28  }
0x71: {  	[tilespmem:s11], [sflag:$0x1] =	stream.indirect.gather [hbm4b:s3+s9], $0x40, s29, s9, $0xb8;
	[tilespmem:$0x16400] =	vst v63  }
0x72: {  	p2 =	seq.s32 s31, $0x0;
	s30 =	sadd.s32 $0x100, s28  }
0x73: {  	[tilespmem:s12], [sflag:$0x1] =	stream.indirect.gather [hbm4b:s3+s9], $0x40, s30, s9, $0xb8;
	[tilespmem:$0x16400] =	vst v63  }
0x74: {  	s24 =	smov.u32 s31;
	s31 =	sadd.s32 $0x180, s28;
	s29 =	simm.s32 @!p0 $0x4  }
0x75: {  	[tilespmem:s13], [sflag:$0x1] =	stream.indirect.gather [hbm4b:s3+s9], $0x40, s31, s9, $0xb8;
	[tilespmem:$0x16400] =	vst v63  }
0x76: {  	_ =	swait.ge @!p0 [sflag:s29], $0x2000  }
0x77: {  	[sflag:s29] =	ssyncset.done @!p0 $0x0  }
0x78: {  	[sflag:s29] =	ssyncadd.s32 @!p0 $0xFFFFE000  }
0x79: {  	_ =	swait.ge @!p0 [sflag:s29], $0x2000  }
0x7a: {  	[sflag:s29] =	ssyncset.done @!p0 $0x0  }
0x7b: {  	[sflag:s29] =	ssyncadd.s32 @!p0 $0xFFFFE000  }
0x7c: {  	_ =	swait.ge @!p0 [sflag:s29], $0x2000  }
0x7d: {  	[sflag:s29] =	ssyncset.done @!p0 $0x0  }
0x7e: {  	[sflag:s29] =	ssyncadd.s32 @!p0 $0xFFFFE000  }
0x7f: {  	_ =	swait.ge @!p0 [sflag:s29], $0x2000  }
0x80: {  	[sflag:s29] =	ssyncset.done @!p0 $0x0  }
0x81: {  	[sflag:s29] =	ssyncadd.s32 @!p0 $0xFFFFE000;
	s29 =	sadd.s32 $0x200, s28  }
0x82: {  	[tilespmem:s14], [sflag:$0x2] =	stream.indirect.gather [hbm4b:s3+s9], $0x40, s29, s9, $0xb8;
	[tilespmem:$0x16400] =	vst v63  }
0x83: {  	s30 =	sadd.s32 $0x280, s28  }
0x84: {  	[tilespmem:s15], [sflag:$0x2] =	stream.indirect.gather [hbm4b:s3+s9], $0x40, s30, s9, $0xb8;
	[tilespmem:$0x16400] =	vst v63  }
0x85: {  	s31 =	sadd.s32 $0x300, s28  }
0x86: {  	[tilespmem:s16], [sflag:$0x2] =	stream.indirect.gather [hbm4b:s3+s9], $0x40, s31, s9, $0xb8;
	[tilespmem:$0x16400] =	vst v63  }
0x87: {  	s29 =	sadd.s32 $0x380, s28  }
0x88: {  	[tilespmem:s17], [sflag:$0x2] =	stream.indirect.gather [hbm4b:s3+s9], $0x40, s29, s9, $0xb8;
	[tilespmem:$0x16400] =	vst v63  }
0x89: {  	_ =	swait.ge [sflag:s18], $0x2000  }
0x8a: {  	[sflag:s18] =	ssyncset.done $0x0  }
0x8b: {  	[sflag:s18] =	ssyncadd.s32 $0xFFFFE000  }
0x8c: {  	_ =	swait.ge [sflag:s18], $0x2000  }
0x8d: {  	[sflag:s18] =	ssyncset.done $0x0  }
0x8e: {  	[sflag:s18] =	ssyncadd.s32 $0xFFFFE000  }
0x8f: {  	_ =	swait.ge [sflag:s18], $0x2000  }
0x90: {  	[sflag:s18] =	ssyncset.done $0x0  }
0x91: {  	[sflag:s18] =	ssyncadd.s32 $0xFFFFE000  }
0x92: {  	_ =	swait.ge [sflag:s18], $0x2000  }
0x93: {  	s30 =	rddreg [dreg:$0x6];
	[sflag:s18] =	ssyncset.done $0x0  }
0x94: {  	s28 =	sadd.s32 s23, s5;
	[sflag:s18] =	ssyncadd.s32 $0xFFFFE000;
	s26 =	sadd.s32 s23, s30  }
0x95: {  	[hbm4b:s26+s2] =	stream.linear.scatter [tilespmem:s10], [sflag:$0x3], $0x2000, $0x38;
	[tilespmem:$0x16400] =	vst v63  }
0x96: {  	s31 =	rddreg [dreg:$0x5];
	s30 =	sadd.s32 $0x400, s28  }
0x97: {  	[hbm4b:s30+s2] =	stream.linear.scatter [tilespmem:s11], [sflag:$0x3], $0x2000, $0x38;
	[tilespmem:$0x16400] =	vst v63  }
0x98: {  	s31 =	sadd.s32 s23, s31  }
0x99: {  	[hbm4b:s31+s2] =	stream.linear.scatter [tilespmem:s12], [sflag:$0x3], $0x2000, $0x38;
	[tilespmem:$0x16400] =	vst v63  }
0x9a: {  	s29 =	sadd.s32 $0xC00, s28  }
0x9b: {  	[hbm4b:s29+s2] =	stream.linear.scatter [tilespmem:s13], [sflag:$0x3], $0x2000, $0x38;
	[tilespmem:$0x16400] =	vst v63  }
0x9c: {  	_ =	swait.ge [sflag:s19], $0x2000  }
0x9d: {  	[sflag:s19] =	ssyncset.done $0x0  }
0x9e: {  	[sflag:s19] =	ssyncadd.s32 $0xFFFFE000  }
0x9f: {  	_ =	swait.ge [sflag:s19], $0x2000  }
0xa0: {  	[sflag:s19] =	ssyncset.done $0x0  }
0xa1: {  	[sflag:s19] =	ssyncadd.s32 $0xFFFFE000  }
0xa2: {  	_ =	swait.ge [sflag:s19], $0x2000  }
0xa3: {  	[sflag:s19] =	ssyncset.done $0x0  }
0xa4: {  	[sflag:s19] =	ssyncadd.s32 $0xFFFFE000  }
0xa5: {  	_ =	swait.ge [sflag:s19], $0x2000  }
0xa6: {  	s25 =	sadd.s32 $0x1000, s25;
	s30 =	rddreg [dreg:$0x4];
	[sflag:s19] =	ssyncset.done $0x0  }
0xa7: {  	p1 =	sne.s32 s25, $0x19000;
	[sflag:s19] =	ssyncadd.s32 $0xFFFFE000;
	s26 =	sadd.s32 s23, s30  }
0xa8: {  	[hbm4b:s26+s2] =	stream.linear.scatter [tilespmem:s14], [sflag:$0x4], $0x2000, $0x38;
	[tilespmem:$0x16400] =	vst v63  }
.Ltmp0:
0xa9: {  	_ = 	snop;
	(pc) =	sbr.rel @p1 .LBB2_2-.Ltmp0, $4  }
0xaa: {  	p0 =	por p2, p2;
	s31 =	rddreg [dreg:$0x3];
	s30 =	sadd.s32 $0x1400, s28  }
0xab: {  	[hbm4b:s30+s2] =	stream.linear.scatter [tilespmem:s15], [sflag:$0x4], $0x2000, $0x38;
	[tilespmem:$0x16400] =	vst v63  }
0xac: {  	s31 =	sadd.s32 s23, s31;
	s23 =	sadd.s32 $0x2000, s23;
	s26 =	sadd.s32 $0x1C00, s28  }
0xad: {  	[hbm4b:s31+s2] =	stream.linear.scatter [tilespmem:s16], [sflag:$0x4], $0x2000, $0x38;
	[tilespmem:$0x16400] =	vst v63  }
0xae: {  	[hbm4b:s26+s2] =	stream.linear.scatter [tilespmem:s17], [sflag:$0x4], $0x2000, $0x38;
	[tilespmem:$0x16400] =	vst v63  }
0xaf: {  	s25 =	simm.s32 @!p0 $0x3  }
0xb0: {  	_ =	swait.ge @!p0 [sflag:s25], $0x2000  }
0xb1: {  	[sflag:s25] =	ssyncset.done @!p0 $0x0  }
0xb2: {  	[sflag:s25] =	ssyncadd.s32 @!p0 $0xFFFFE000  }
0xb3: {  	_ =	swait.ge @!p0 [sflag:s25], $0x2000  }
0xb4: {  	[sflag:s25] =	ssyncset.done @!p0 $0x0  }
0xb5: {  	[sflag:s25] =	ssyncadd.s32 @!p0 $0xFFFFE000  }
0xb6: {  	_ =	swait.ge @!p0 [sflag:s25], $0x2000  }
0xb7: {  	[sflag:s25] =	ssyncset.done @!p0 $0x0  }
0xb8: {  	[sflag:s25] =	ssyncadd.s32 @!p0 $0xFFFFE000  }
0xb9: {  	_ =	swait.ge @!p0 [sflag:s25], $0x2000  }
0xba: {  	[sflag:s25] =	ssyncset.done @!p0 $0x0  }
0xbb: {  	s24 =	sshra.s32 s24, $0x2;
	[sflag:s25] =	ssyncadd.s32 @!p0 $0xFFFFE000  }
0xbc: {  	[tilespmem:s10], [sflag:$0x1] =	stream.indirect.gather [hbm4b:s3+s9], $0x40, s24, s9, $0xb8;
	[tilespmem:$0x16400] =	vst v63  }
0xbd: {  	s31 =	sadd.s32 $0x80, s24  }
0xbe: {  	[tilespmem:s11], [sflag:$0x1] =	stream.indirect.gather [hbm4b:s3+s9], $0x40, s31, s9, $0xb8;
	[tilespmem:$0x16400] =	vst v63  }
0xbf: {  	s26 =	sadd.s32 $0x100, s24  }
0xc0: {  	[tilespmem:s12], [sflag:$0x1] =	stream.indirect.gather [hbm4b:s3+s9], $0x40, s26, s9, $0xb8;
	[tilespmem:$0x16400] =	vst v63  }
0xc1: {  	s28 =	sadd.s32 $0x180, s24;
	s26 =	simm.s32 @!p0 $0x4  }
0xc2: {  	[tilespmem:s13], [sflag:$0x1] =	stream.indirect.gather [hbm4b:s3+s9], $0x40, s28, s9, $0xb8;
	[tilespmem:$0x16400] =	vst v63  }
0xc3: {  	_ =	swait.ge @!p0 [sflag:s26], $0x2000  }
0xc4: {  	[sflag:s26] =	ssyncset.done @!p0 $0x0  }
0xc5: {  	[sflag:s26] =	ssyncadd.s32 @!p0 $0xFFFFE000  }
0xc6: {  	_ =	swait.ge @!p0 [sflag:s26], $0x2000  }
0xc7: {  	[sflag:s26] =	ssyncset.done @!p0 $0x0  }
0xc8: {  	[sflag:s26] =	ssyncadd.s32 @!p0 $0xFFFFE000  }
0xc9: {  	_ =	swait.ge @!p0 [sflag:s26], $0x2000  }
0xca: {  	[sflag:s26] =	ssyncset.done @!p0 $0x0  }
0xcb: {  	[sflag:s26] =	ssyncadd.s32 @!p0 $0xFFFFE000  }
0xcc: {  	_ =	swait.ge @!p0 [sflag:s26], $0x2000  }
0xcd: {  	[sflag:s26] =	ssyncset.done @!p0 $0x0  }
0xce: {  	s29 =	sadd.s32 $0x200, s24;
	[sflag:s26] =	ssyncadd.s32 @!p0 $0xFFFFE000  }
0xcf: {  	[tilespmem:s14], [sflag:$0x2] =	stream.indirect.gather [hbm4b:s3+s9], $0x40, s29, s9, $0xb8;
	[tilespmem:$0x16400] =	vst v63  }
0xd0: {  	s30 =	sadd.s32 $0x280, s24  }
0xd1: {  	[tilespmem:s15], [sflag:$0x2] =	stream.indirect.gather [hbm4b:s3+s9], $0x40, s30, s9, $0xb8;
	[tilespmem:$0x16400] =	vst v63  }
0xd2: {  	s31 =	sadd.s32 $0x300, s24  }
0xd3: {  	[tilespmem:s16], [sflag:$0x2] =	stream.indirect.gather [hbm4b:s3+s9], $0x40, s31, s9, $0xb8;
	[tilespmem:$0x16400] =	vst v63  }
0xd4: {  	s24 =	sadd.s32 $0x380, s24  }
0xd5: {  	[tilespmem:s17], [sflag:$0x2] =	stream.indirect.gather [hbm4b:s3+s9], $0x40, s24, s9, $0xb8;
	[tilespmem:$0x16400] =	vst v63  }
0xd6: {  	_ =	swait.ge [sflag:s18], $0x2000  }
0xd7: {  	[sflag:s18] =	ssyncset.done $0x0  }
0xd8: {  	[sflag:s18] =	ssyncadd.s32 $0xFFFFE000  }
0xd9: {  	_ =	swait.ge [sflag:s18], $0x2000  }
0xda: {  	[sflag:s18] =	ssyncset.done $0x0  }
0xdb: {  	[sflag:s18] =	ssyncadd.s32 $0xFFFFE000  }
0xdc: {  	_ =	swait.ge [sflag:s18], $0x2000  }
0xdd: {  	[sflag:s18] =	ssyncset.done $0x0  }
0xde: {  	[sflag:s18] =	ssyncadd.s32 $0xFFFFE000  }
0xdf: {  	_ =	swait.ge [sflag:s18], $0x2000  }
0xe0: {  	s26 =	rddreg [dreg:$0x6];
	[sflag:s18] =	ssyncset.done $0x0  }
0xe1: {  	s25 =	sadd.s32 s23, s5;
	[sflag:s18] =	ssyncadd.s32 $0xFFFFE000;
	s24 =	sadd.s32 s23, s26  }
0xe2: {  	[hbm4b:s24+s2] =	stream.linear.scatter [tilespmem:s10], [sflag:$0x3], $0x2000, $0x38;
	[tilespmem:$0x16400] =	vst v63  }
0xe3: {  	s29 =	sadd.s32 $0x400, s25;
	s28 =	rddreg [dreg:$0x5]  }
0xe4: {  	[hbm4b:s29+s2] =	stream.linear.scatter [tilespmem:s11], [sflag:$0x3], $0x2000, $0x38;
	[tilespmem:$0x16400] =	vst v63  }
0xe5: {  	s30 =	sadd.s32 s23, s28  }
0xe6: {  	[hbm4b:s30+s2] =	stream.linear.scatter [tilespmem:s12], [sflag:$0x3], $0x2000, $0x38;
	[tilespmem:$0x16400] =	vst v63  }
0xe7: {  	s31 =	sadd.s32 $0xC00, s25  }
0xe8: {  	[hbm4b:s31+s2] =	stream.linear.scatter [tilespmem:s13], [sflag:$0x3], $0x2000, $0x38;
	[tilespmem:$0x16400] =	vst v63  }
0xe9: {  	_ =	swait.ge [sflag:s19], $0x2000  }
0xea: {  	[sflag:s19] =	ssyncset.done $0x0  }
0xeb: {  	[sflag:s19] =	ssyncadd.s32 $0xFFFFE000  }
0xec: {  	_ =	swait.ge [sflag:s19], $0x2000  }
0xed: {  	[sflag:s19] =	ssyncset.done $0x0  }
0xee: {  	[sflag:s19] =	ssyncadd.s32 $0xFFFFE000  }
0xef: {  	_ =	swait.ge [sflag:s19], $0x2000  }
0xf0: {  	[sflag:s19] =	ssyncset.done $0x0  }
0xf1: {  	[sflag:s19] =	ssyncadd.s32 $0xFFFFE000  }
0xf2: {  	_ =	swait.ge [sflag:s19], $0x2000  }
0xf3: {  	s26 =	rddreg [dreg:$0x4];
	[sflag:s19] =	ssyncset.done $0x0  }
0xf4: {  	[sflag:s19] =	ssyncadd.s32 $0xFFFFE000;
	s24 =	sadd.s32 s23, s26  }
0xf5: {  	[hbm4b:s24+s2] =	stream.linear.scatter [tilespmem:s14], [sflag:$0x4], $0x2000, $0x38;
	[tilespmem:$0x16400] =	vst v63  }
0xf6: {  	s29 =	sadd.s32 $0x1400, s25;
	s28 =	rddreg [dreg:$0x3]  }
0xf7: {  	[hbm4b:s29+s2] =	stream.linear.scatter [tilespmem:s15], [sflag:$0x4], $0x2000, $0x38;
	[tilespmem:$0x16400] =	vst v63  }
0xf8: {  	s30 =	sadd.s32 s23, s28  }
0xf9: {  	[hbm4b:s30+s2] =	stream.linear.scatter [tilespmem:s16], [sflag:$0x4], $0x2000, $0x38;
	[tilespmem:$0x16400] =	vst v63  }
0xfa: {  	s31 =	sadd.s32 $0x1C00, s25  }
0xfb: {  	[hbm4b:s31+s2] =	stream.linear.scatter [tilespmem:s17], [sflag:$0x4], $0x2000, $0x38;
	[tilespmem:$0x16400] =	vst v63  }
0xfc: {  	_ =	swait.ge [sflag:s20], $0x2000  }
0xfd: {  	[sflag:s20] =	ssyncset.done $0x0  }
0xfe: {  	[sflag:s20] =	ssyncadd.s32 $0xFFFFE000  }
0xff: {  	_ =	swait.ge [sflag:s20], $0x2000  }
0x100: {  	[sflag:s20] =	ssyncset.done $0x0  }
0x101: {  	[sflag:s20] =	ssyncadd.s32 $0xFFFFE000  }
0x102: {  	_ =	swait.ge [sflag:s20], $0x2000  }
0x103: {  	[sflag:s20] =	ssyncset.done $0x0  }
0x104: {  	[sflag:s20] =	ssyncadd.s32 $0xFFFFE000  }
0x105: {  	_ =	swait.ge [sflag:s20], $0x2000  }
0x106: {  	[sflag:s20] =	ssyncset.done $0x0  }
0x107: {  	[sflag:s20] =	ssyncadd.s32 $0xFFFFE000  }
0x108: {  	_ =	swait.ge [sflag:s21], $0x2000  }
0x109: {  	[sflag:s21] =	ssyncset.done $0x0  }
0x10a: {  	[sflag:s21] =	ssyncadd.s32 $0xFFFFE000  }
0x10b: {  	_ =	swait.ge [sflag:s21], $0x2000  }
0x10c: {  	[sflag:s21] =	ssyncset.done $0x0  }
0x10d: {  	s22 =	sadd.s32 $0x1, s22;
	[sflag:s21] =	ssyncadd.s32 $0xFFFFE000  }
0x10e: {  	p0 =	sne.s32 s22, s7;
	_ =	swait.ge [sflag:s21], $0x2000  }
.Ltmp1:
0x10f: {  	[sflag:s21] =	ssyncset.done $0x0;
	(pc) =	sbr.rel @p0 .LBB2_1-.Ltmp1, $4  }
0x110: {  	[sflag:s21] =	ssyncadd.s32 $0xFFFFE000  }
0x111: {  	_ =	swait.ge [sflag:s21], $0x2000  }
0x112: {  	[sflag:s21] =	ssyncset.done $0x0  }
0x113: {  	[sflag:s21] =	ssyncadd.s32 $0xFFFFE000  }
0x114: {  	_ =	sfence.sel $0x180000  }
0x115: {  	[bflag:$0x0] =	sbarrier.arrive $0xFFFF  }
0x116: {  	p0 =	sne.s32 s1, $0x0;
	_ =	strace $0x9000004A  }
0x117: {  	s0 =	sadd.s32 @!p0 $0x100000, s0;
	[bflag:$0x2] =	sbarrier.arrive $0xFFFF  }
0x118: {  	[sflag:s0] =	ssyncadd.tile.s32 @!p0 $0x1;
	_ =	shalt  }
.Lfunc_end2:
_tile_overlayer_lowered:
.L_overlay_start_2:
0x119: {  	(tag) =	ssettag $0x2  }
0x11a: {  	s0 =	rddreg [dreg:$0x0];
	s2 =	stileid.u32  }
0x11b: {  	s1 =	rddreg [dreg:$0x1];
	p0 =	sne.s32 s2, $0x0  }
0x11c: {  	s3 =	rddreg [dreg:$0x2];
	[bflag:$0x3] =	sbarrier.arrive $0xFFFF;
	s2 =	simm.s32 @!p0 $0x1C05  }
0x11d: {  	[timem:s3], [sflag:s2] =	dma.local @!p0 [hbm:s0], s1  }
0x11e: {  	s0 =	simm.s32 @!p0 $0x5  }
0x11f: {  	_ =	swait.ge @!p0 [sflag:s0], s1  }
0x120: {  	s1 =	ssub.s32 @!p0 $0x0, s1;
	[sflag:s0] =	ssyncset.done @!p0 $0x0  }
0x121: {  	[sflag:s0] =	ssyncadd.s32 @!p0 s1  }
0x122: {  	[bflag:$0x3] =	sbarrier.arrive $0xFFFF  }
0x123: {  	_ =	shalt  }

</sc_bundles>
